<compile_context>
chip_gen: v7x
topology: tpu7x:2x2x1
jax: 0.10.2.dev20260603
libtpu: 0.0.44.dev20260713+nightly
codegen_flags: <defaults>
</compile_context>

<pallas_src>
import jax
import jax.numpy as jnp
from jax import lax
from jax.experimental import pallas as pl
from jax.experimental.pallas import tpu as pltpu
from jax.experimental.pallas import tpu_sc as plsc

_NC = 2
_NS = 16
_L = 16
_NW = _NC * _NS

_V = 1000
_C = 1000
_N = 51200
_PB = _C // 8
_PT = _N // 128
_RPW = _N // _NW
_EG = 80
_NEG = _RPW // _EG


def _lse_body(tab_ref, lse_ref):
    x = tab_ref[...]
    m = jnp.max(x, axis=1)
    s = jnp.sum(jnp.exp(x - m[:, None]), axis=1)
    lse_ref[...] = m + jnp.log(s)


def _loss_body(part_ref, loss_ref):
    loss_ref[...] = jnp.sum(part_ref[...], axis=(0, 1), keepdims=True) * (1.0 / _N)


def _tgather_body(arr4_hbm, inp_hbm, out_hbm,
                  inp_v, tt_v, st_v, ssem0, ssem1):
    wid = lax.axis_index("s") * _NC + lax.axis_index("c")

    pltpu.sync_copy(inp_hbm, inp_v)
    ssems = (ssem0, ssem1)

    def do_band(k, carry):
        b = wid + _NW * k

        @pl.when(b < _PB)
        def _():
            pltpu.sync_copy(arr4_hbm.at[b], tt_v)

            def dma_start(ck, buf):
                pltpu.async_copy(
                    st_v.at[buf],
                    out_hbm.at[b, pl.ds(ck * 8, 8)],
                    ssems[buf])

            def dma_wait(buf):
                pltpu.make_async_copy(
                    st_v.at[buf],
                    out_hbm.at[0, pl.ds(0, 8)],
                    ssems[buf]).wait()

            def do_ck2(q, c2):
                for buf in range(2):
                    ck = q * 2 + buf

                    @pl.when(q > 0)
                    def _():
                        dma_wait(buf)

                    @plsc.parallel_loop(0, 64, 1, unroll=8)
                    def _groups(i):
                        ivec = inp_v[pl.ds(ck * 1024 + i * _L, _L)]
                        zero = jnp.zeros((_L,), jnp.int32)
                        base = lax.bitwise_or(
                            lax.shift_left(
                                lax.shift_right_logical(ivec, 7), 10),
                            lax.bitwise_and(ivec, 127))
                        tix = i // 8
                        lo = (i % 8) * _L
                        for cl in range(8):
                            vals = plsc.load_gather(
                                tt_v, [zero, zero, base + cl * 128])
                            st_v[buf, tix, cl, pl.ds(lo, _L)] = vals

                    dma_start(ck, buf)
                return c2

            lax.fori_loop(0, _PT // 16, do_ck2, 0)
            dma_wait(0)
            dma_wait(1)

        return carry

    lax.fori_loop(0, 4, do_band, 0)


def _lpart_body(tflat_hbm, inp_hbm, tgt_hbm, lse_hbm,
                part_hbm,
                idx_v, tgt_v, pr_v, tl_v, lse_v, acc_v, gsem):
    wid = lax.axis_index("s") * _NC + lax.axis_index("c")
    base = wid * _RPW

    pltpu.sync_copy(inp_hbm.at[pl.ds(base, _RPW)], idx_v)
    pltpu.sync_copy(tgt_hbm.at[pl.ds(base, _RPW)], tgt_v)
    pltpu.sync_copy(lse_hbm, lse_v)

    def mk_pairs(i, carry):
        sl = pl.ds(i * _L, _L)
        pr_v[sl] = idx_v[sl] * _V + tgt_v[sl]
        return carry
    lax.fori_loop(0, _RPW // _L, mk_pairs, 0)

    def fire(g, carry):
        pltpu.async_copy(
            tflat_hbm.at[pr_v.at[pl.ds(g * _EG, _EG)]],
            tl_v.at[pl.ds(g * _EG, _EG)], gsem)
        return carry
    lax.fori_loop(0, _NEG, fire, 0)

    def drain(g, carry):
        pltpu.make_async_copy(
            tflat_hbm.at[pr_v.at[pl.ds(0, _EG)]],
            tl_v.at[pl.ds(g * _EG, _EG)], gsem).wait()
        return carry
    lax.fori_loop(0, _NEG, drain, 0)

    acc_v[...] = jnp.zeros((_L,), jnp.float32)

    def accum(i, carry):
        sl = pl.ds(i * _L, _L)
        ivec = idx_v[sl]
        ls = plsc.load_gather(lse_v, [ivec])
        acc_v[...] = acc_v[...] + (ls - tl_v[sl])
        return carry
    lax.fori_loop(0, _RPW // _L, accum, 0)

    pltpu.sync_copy(acc_v, part_hbm.at[wid])


def kernel(input_sequences, target_sequences, token_embedding_table):
    inp = input_sequences.reshape(-1)
    tgt = target_sequences.reshape(-1)

    lse = pl.pallas_call(
        _lse_body,
        out_shape=jax.ShapeDtypeStruct((_V,), jnp.float32),
    )(token_embedding_table)
    lse_pad = jnp.pad(lse, (0, 1024 - _V))

    table_t = jnp.pad(token_embedding_table.T, ((0, 0), (0, 24)))
    arr4 = table_t.reshape(_PB, 8, 8, 128).transpose(0, 2, 1, 3)
    tflat = token_embedding_table.reshape(-1)

    mesh = plsc.VectorSubcoreMesh(
        core_axis_name="c", subcore_axis_name="s",
        num_cores=_NC, num_subcores=_NS)

    out4d = pl.kernel(
        _tgather_body,
        out_type=jax.ShapeDtypeStruct((_PB, _PT, 8, 128), jnp.float32),
        mesh=mesh,
        compiler_params=pltpu.CompilerParams(
            needs_layout_passes=False, use_tc_tiling_on_sc=True),
        scratch_types=[
            pltpu.VMEM((_N,), jnp.int32),
            pltpu.VMEM((8, 8, 128), jnp.float32),
            pltpu.VMEM((2, 8, 8, 128), jnp.float32),
            pltpu.SemaphoreType.DMA,
            pltpu.SemaphoreType.DMA,
        ],
    )(arr4, inp)

    logits_flat = out4d.transpose(1, 3, 0, 2).reshape(_N, _C)

    partials = pl.kernel(
        _lpart_body,
        out_type=jax.ShapeDtypeStruct((_NW, _L), jnp.float32),
        mesh=mesh,
        compiler_params=pltpu.CompilerParams(
            needs_layout_passes=False, use_tc_tiling_on_sc=False),
        scratch_types=[
            pltpu.VMEM((_RPW,), jnp.int32),
            pltpu.VMEM((_RPW,), jnp.int32),
            pltpu.VMEM((_RPW,), jnp.int32),
            pltpu.VMEM((_RPW,), jnp.float32),
            pltpu.VMEM((1024,), jnp.float32),
            pltpu.VMEM((_L,), jnp.float32),
            pltpu.SemaphoreType.DMA,
        ],
    )(tflat, inp, tgt, lse_pad)

    loss2d = pl.pallas_call(
        _loss_body,
        out_shape=jax.ShapeDtypeStruct((1, 1), jnp.float32),
    )(partials)
    return logits_flat, loss2d[0, 0]

# --- scband reference (transcript-rebuilt; emitter-appended) ---
"""Pipeline reference for scband-bigram-language-model-52106543235611 (READ-ONLY COPY).

The authoritative reference and input builder live on the scoring server;
editing this copy changes nothing except your own understanding.
"""

import jax, jax.numpy as jnp
import numpy as np

VOCAB = 1000
B, T = 1024, 50

def setup_inputs(seed: int = 0) -> dict:
    key = jax.random.key(seed)
    k1, k2, k3 = jax.random.split(key, 3)
    input_sequences = jax.random.randint(k1, (B, T), 0, VOCAB, dtype=jnp.int32)
    target_sequences = jax.random.randint(k2, (B, T), 0, VOCAB, dtype=jnp.int32)
    token_embedding_table = jax.random.normal(k3, (VOCAB, VOCAB), dtype=jnp.float32)
    return {
        "input_sequences": input_sequences,
        "target_sequences": target_sequences,
        "token_embedding_table": token_embedding_table,
    }

def reference(input_sequences, target_sequences, token_embedding_table):
    # Embedding lookup: (B, T) -> (B, T, C)
    logits = jnp.take(token_embedding_table, input_sequences, axis=0)
    Bq, Tq, C = logits.shape
    # Training branch (targets provided): flatten and compute cross-entropy
    logits_flat = logits.reshape(Bq * Tq, C)
    targets_flat = target_sequences.reshape(Bq * Tq)
    log_probs = jax.nn.log_softmax(logits_flat, axis=-1)
    nll = -jnp.take_along_axis(log_probs, targets_flat[:, None], axis=1)[:, 0]
    loss = jnp.mean(nll)
    # torch module returns the reshaped (B*T, C) logits in the training branch
    return logits_flat, loss

if __name__ == "__main__":
    import jax
    _d = setup_inputs()
    print(jax.jit(kernel)(*tuple(_d.values())))

</pallas_src>

<mosaic_0001>
#map = affine_map<(d0, d1) -> (0)>
#map1 = affine_map<(d0, d1) -> (0, 0)>
module attributes {stable_mosaic.version = 14 : i64} {
  func.func @_lpart_body(%arg0: i32, %arg1: i32, %arg2: memref<1000000xf32, #tpu.memory_space<hbm>>, %arg3: memref<51200xi32, #tpu.memory_space<hbm>>, %arg4: memref<51200xi32, #tpu.memory_space<hbm>>, %arg5: memref<1024xf32, #tpu.memory_space<hbm>>, %arg6: memref<32x16xf32, #tpu.memory_space<hbm>>, %arg7: memref<1600xi32, #tpu.memory_space<vmem>>, %arg8: memref<1600xi32, #tpu.memory_space<vmem>>, %arg9: memref<1600xi32, #tpu.memory_space<vmem>>, %arg10: memref<1600xf32, #tpu.memory_space<vmem>>, %arg11: memref<1024xf32, #tpu.memory_space<vmem>>, %arg12: memref<16xf32, #tpu.memory_space<vmem>>, %arg13: memref<!tpu.dma_semaphore, #tpu.memory_space<semaphore_mem>>) attributes {dimension_semantics = [#tpu.dimension_semantics<core_parallel>, #tpu.dimension_semantics<subcore_parallel>], iteration_bounds = array<i64: 2, 16>, scalar_prefetch = 0 : i64, scratch_operands = 7 : i64, tpu.core_type = #tpu.core_type<sc_vector_subcore>, window_params = [{transform_indices = #map}, {transform_indices = #map}, {transform_indices = #map}, {transform_indices = #map}, {transform_indices = #map1}]} {
    %mul3A = arith.constant 2 : i32
    %mul3A_0 = arith.muli %arg1, %mul3A : i32
    %add3A = arith.addi %mul3A_0, %arg0 : i32
    %mul3A_1 = arith.constant 1600 : i32
    %mul3A_2 = arith.muli %add3A, %mul3A_1 : i32
    "tpu.region"() ({
      %run_scoped3A = tpu.sem_alloc : memref<!tpu.dma_semaphore, #tpu.memory_space<semaphore_mem>>
      %dma_start3A = tpu.memref_slice %arg3[%mul3A_2] : memref<51200xi32, #tpu.memory_space<hbm>> -> memref<1600xi32, #tpu.memory_space<hbm>>
      %dma_start3A_28 = tpu.memref_slice %arg3[%mul3A_2] : memref<51200xi32, #tpu.memory_space<hbm>> -> memref<1600xi32, #tpu.memory_space<hbm>>
      tpu.enqueue_dma source(%dma_start3A_28 : memref<1600xi32, #tpu.memory_space<hbm>>) target(%arg7 : memref<1600xi32, #tpu.memory_space<vmem>>) target_semaphore(%run_scoped3A : memref<!tpu.dma_semaphore, #tpu.memory_space<semaphore_mem>>)
      %dma_wait3A = tpu.memref_slice %arg3[%mul3A_2] : memref<51200xi32, #tpu.memory_space<hbm>> -> memref<1600xi32, #tpu.memory_space<hbm>>
      %dma_wait3A_29 = tpu.memref_slice %arg3[%mul3A_2] : memref<51200xi32, #tpu.memory_space<hbm>> -> memref<1600xi32, #tpu.memory_space<hbm>>
      tpu.wait_dma2 semaphore(%run_scoped3A : memref<!tpu.dma_semaphore, #tpu.memory_space<semaphore_mem>>) src(%dma_wait3A_29 : memref<1600xi32, #tpu.memory_space<hbm>>) dst(%arg7 : memref<1600xi32, #tpu.memory_space<vmem>>)
      tpu.yield
    }) : () -> ()
    "tpu.region"() ({
      %run_scoped3A = tpu.sem_alloc : memref<!tpu.dma_semaphore, #tpu.memory_space<semaphore_mem>>
      %dma_start3A = tpu.memref_slice %arg4[%mul3A_2] : memref<51200xi32, #tpu.memory_space<hbm>> -> memref<1600xi32, #tpu.memory_space<hbm>>
      %dma_start3A_28 = tpu.memref_slice %arg4[%mul3A_2] : memref<51200xi32, #tpu.memory_space<hbm>> -> memref<1600xi32, #tpu.memory_space<hbm>>
      tpu.enqueue_dma source(%dma_start3A_28 : memref<1600xi32, #tpu.memory_space<hbm>>) target(%arg8 : memref<1600xi32, #tpu.memory_space<vmem>>) target_semaphore(%run_scoped3A : memref<!tpu.dma_semaphore, #tpu.memory_space<semaphore_mem>>)
      %dma_wait3A = tpu.memref_slice %arg4[%mul3A_2] : memref<51200xi32, #tpu.memory_space<hbm>> -> memref<1600xi32, #tpu.memory_space<hbm>>
      %dma_wait3A_29 = tpu.memref_slice %arg4[%mul3A_2] : memref<51200xi32, #tpu.memory_space<hbm>> -> memref<1600xi32, #tpu.memory_space<hbm>>
      tpu.wait_dma2 semaphore(%run_scoped3A : memref<!tpu.dma_semaphore, #tpu.memory_space<semaphore_mem>>) src(%dma_wait3A_29 : memref<1600xi32, #tpu.memory_space<hbm>>) dst(%arg8 : memref<1600xi32, #tpu.memory_space<vmem>>)
      tpu.yield
    }) : () -> ()
    "tpu.region"() ({
      %run_scoped3A = tpu.sem_alloc : memref<!tpu.dma_semaphore, #tpu.memory_space<semaphore_mem>>
      tpu.enqueue_dma source(%arg5 : memref<1024xf32, #tpu.memory_space<hbm>>) target(%arg11 : memref<1024xf32, #tpu.memory_space<vmem>>) target_semaphore(%run_scoped3A : memref<!tpu.dma_semaphore, #tpu.memory_space<semaphore_mem>>)
      tpu.wait_dma2 semaphore(%run_scoped3A : memref<!tpu.dma_semaphore, #tpu.memory_space<semaphore_mem>>) src(%arg5 : memref<1024xf32, #tpu.memory_space<hbm>>) dst(%arg11 : memref<1024xf32, #tpu.memory_space<vmem>>)
      tpu.yield
    }) : () -> ()
    %scan3A = arith.constant 0 : i32
    %scan3A_3 = arith.constant 0 : i32
    %scan3A_4 = arith.constant 100 : i32
    %scan3A_5 = arith.addi %scan3A_3, %scan3A_4 : i32
    %scan3A_6 = arith.constant 1 : i32
    scf.for %scan3A_28 = %scan3A_3 to %scan3A_5 step %scan3A_6  : i32 {
      %mul3A_29 = arith.constant 16 : i32
      %mul3A_30 = arith.muli %scan3A_28, %mul3A_29 : i32
      %get3A = arith.index_cast %mul3A_30 : i32 to index
      %get3A_31 = tpu.vector_load %arg7[%get3A] {strides = array<i32>} : memref<1600xi32, #tpu.memory_space<vmem>>, vector<16xi32>,
      %mul3A_32 = arith.constant 1000 : i32
      %mul3A_33 = vector.broadcast %mul3A_32 : i32 to vector<16xi32>
      %mul3A_34 = arith.muli %get3A_31, %mul3A_33 : vector<16xi32>
      %get3A_35 = arith.index_cast %mul3A_30 : i32 to index
      %get3A_36 = tpu.vector_load %arg8[%get3A_35] {strides = array<i32>} : memref<1600xi32, #tpu.memory_space<vmem>>, vector<16xi32>,
      %add3A_37 = arith.addi %mul3A_34, %get3A_36 : vector<16xi32>
      %swap3A_38 = arith.index_cast %mul3A_30 : i32 to index
      %swap3A_39 = tpu.vector_load %arg9[%swap3A_38] {strides = array<i32>} : memref<1600xi32, #tpu.memory_space<vmem>>, vector<16xi32>,
      tpu.vector_store %arg9[%swap3A_38], %add3A_37 {strides = array<i32>} : memref<1600xi32, #tpu.memory_space<vmem>>, vector<16xi32>,
    }
    %scan3A_7 = arith.constant 100 : i32
    %scan3A_8 = arith.constant 0 : i32
    %scan3A_9 = arith.constant 0 : i32
    %scan3A_10 = arith.constant 20 : i32
    %scan3A_11 = arith.addi %scan3A_9, %scan3A_10 : i32
    %scan3A_12 = arith.constant 1 : i32
    scf.for %scan3A_28 = %scan3A_9 to %scan3A_11 step %scan3A_12  : i32 {
      %mul3A_29 = arith.constant 80 : i32
      %mul3A_30 = arith.muli %scan3A_28, %mul3A_29 : i32
      %mul3A_31 = arith.constant 80 : i32
      %mul3A_32 = arith.muli %scan3A_28, %mul3A_31 : i32
      %dma_start3A = tpu.memref_slice %arg10[%mul3A_32] : memref<1600xf32, #tpu.memory_space<vmem>> -> memref<80xf32, #tpu.memory_space<vmem>>
      %dma_start3A_33 = tpu.memref_slice %arg9[%mul3A_30] : memref<1600xi32, #tpu.memory_space<vmem>> -> memref<80xi32, #tpu.memory_space<vmem>>
      %dma_start3A_34 = arith.constant 0 : i32
      %dma_start3A_35 = tpu.memref_slice %arg2[%dma_start3A_34] : memref<1000000xf32, #tpu.memory_space<hbm>> -> memref<1000000xf32, #tpu.memory_space<hbm>>
      tpu.enqueue_indirect_dma source(%dma_start3A_35 : memref<1000000xf32, #tpu.memory_space<hbm>>) target(%dma_start3A : memref<80xf32, #tpu.memory_space<vmem>>) offsets(%dma_start3A_33 : memref<80xi32, #tpu.memory_space<vmem>>) semaphore(%arg13 : memref<!tpu.dma_semaphore, #tpu.memory_space<semaphore_mem>>)
    }
    %scan3A_13 = arith.constant 20 : i32
    %scan3A_14 = arith.constant 0 : i32
    %scan3A_15 = arith.constant 0 : i32
    %scan3A_16 = arith.constant 20 : i32
    %scan3A_17 = arith.addi %scan3A_15, %scan3A_16 : i32
    %scan3A_18 = arith.constant 1 : i32
    scf.for %scan3A_28 = %scan3A_15 to %scan3A_17 step %scan3A_18  : i32 {
      %mul3A_29 = arith.constant 80 : i32
      %mul3A_30 = arith.muli %scan3A_28, %mul3A_29 : i32
      %dma_wait3A = tpu.memref_slice %arg10[%mul3A_30] : memref<1600xf32, #tpu.memory_space<vmem>> -> memref<80xf32, #tpu.memory_space<vmem>>
      %dma_wait3A_31 = arith.constant 0 : i32
      %dma_wait3A_32 = tpu.memref_slice %arg9[%dma_wait3A_31] : memref<1600xi32, #tpu.memory_space<vmem>> -> memref<80xi32, #tpu.memory_space<vmem>>
      %dma_wait3A_33 = arith.constant 0 : i32
      %dma_wait3A_34 = tpu.memref_slice %arg2[%dma_wait3A_33] : memref<1000000xf32, #tpu.memory_space<hbm>> -> memref<1000000xf32, #tpu.memory_space<hbm>>
      tpu.wait_indirect_dma semaphore(%arg13 : memref<!tpu.dma_semaphore, #tpu.memory_space<semaphore_mem>>) src(%dma_wait3A_34 : memref<1000000xf32, #tpu.memory_space<hbm>>) dst(%dma_wait3A : memref<80xf32, #tpu.memory_space<vmem>>)
    }
    %scan3A_19 = arith.constant 20 : i32
    %broadcast_in_dim3A = arith.constant 0.000000e+00 : f32
    %broadcast_in_dim3A_20 = vector.broadcast %broadcast_in_dim3A : f32 to vector<16xf32>
    %swap3A = arith.constant 0 : index
    %swap3A_21 = tpu.vector_load %arg12[%swap3A] {strides = array<i32>} : memref<16xf32, #tpu.memory_space<vmem>>, vector<16xf32>,
    tpu.vector_store %arg12[%swap3A], %broadcast_in_dim3A_20 {strides = array<i32>} : memref<16xf32, #tpu.memory_space<vmem>>, vector<16xf32>,
    %scan3A_22 = arith.constant 0 : i32
    %scan3A_23 = arith.constant 0 : i32
    %scan3A_24 = arith.constant 100 : i32
    %scan3A_25 = arith.addi %scan3A_23, %scan3A_24 : i32
    %scan3A_26 = arith.constant 1 : i32
    scf.for %scan3A_28 = %scan3A_23 to %scan3A_25 step %scan3A_26  : i32 {
      %mul3A_29 = arith.constant 16 : i32
      %mul3A_30 = arith.muli %scan3A_28, %mul3A_29 : i32
      %get3A = arith.index_cast %mul3A_30 : i32 to index
      %get3A_31 = tpu.vector_load %arg7[%get3A] {strides = array<i32>} : memref<1600xi32, #tpu.memory_space<vmem>>, vector<16xi32>,
      %gather3A = tpu.vector_load_idx %arg11[%get3A_31] : memref<1024xf32, #tpu.memory_space<vmem>>[vector<16xi32>], vector<16xf32>,
      %get3A_32 = arith.constant 0 : index
      %get3A_33 = tpu.vector_load %arg12[%get3A_32] {strides = array<i32>} : memref<16xf32, #tpu.memory_space<vmem>>, vector<16xf32>,
      %get3A_34 = arith.index_cast %mul3A_30 : i32 to index
      %get3A_35 = tpu.vector_load %arg10[%get3A_34] {strides = array<i32>} : memref<1600xf32, #tpu.memory_space<vmem>>, vector<16xf32>,
      %sub3A = arith.subf %gather3A, %get3A_35 : vector<16xf32>
      %add3A_36 = arith.addf %get3A_33, %sub3A : vector<16xf32>
      %swap3A_37 = arith.constant 0 : index
      %swap3A_38 = tpu.vector_load %arg12[%swap3A_37] {strides = array<i32>} : memref<16xf32, #tpu.memory_space<vmem>>, vector<16xf32>,
      tpu.vector_store %arg12[%swap3A_37], %add3A_36 {strides = array<i32>} : memref<16xf32, #tpu.memory_space<vmem>>, vector<16xf32>,
    }
    %scan3A_27 = arith.constant 100 : i32
    "tpu.region"() ({
      %run_scoped3A = tpu.sem_alloc : memref<!tpu.dma_semaphore, #tpu.memory_space<semaphore_mem>>
      %dma_start3A = arith.constant 0 : i32
      %dma_start3A_28 = tpu.memref_slice %arg6[%add3A, %dma_start3A] : memref<32x16xf32, #tpu.memory_space<hbm>> -> memref<1x16xf32, #tpu.memory_space<hbm>>
      %dma_start3A_29 = tpu.memref_squeeze %dma_start3A_28 : memref<1x16xf32, #tpu.memory_space<hbm>> -> memref<16xf32, #tpu.memory_space<hbm>>
      %dma_start3A_30 = arith.constant 0 : i32
      %dma_start3A_31 = tpu.memref_slice %arg6[%add3A, %dma_start3A_30] : memref<32x16xf32, #tpu.memory_space<hbm>> -> memref<1x16xf32, #tpu.memory_space<hbm>>
      %dma_start3A_32 = tpu.memref_squeeze %dma_start3A_31 : memref<1x16xf32, #tpu.memory_space<hbm>> -> memref<16xf32, #tpu.memory_space<hbm>>
      tpu.enqueue_dma source(%arg12 : memref<16xf32, #tpu.memory_space<vmem>>) target(%dma_start3A_32 : memref<16xf32, #tpu.memory_space<hbm>>) target_semaphore(%run_scoped3A : memref<!tpu.dma_semaphore, #tpu.memory_space<semaphore_mem>>)
      %dma_wait3A = arith.constant 0 : i32
      %dma_wait3A_33 = tpu.memref_slice %arg6[%add3A, %dma_wait3A] : memref<32x16xf32, #tpu.memory_space<hbm>> -> memref<1x16xf32, #tpu.memory_space<hbm>>
      %dma_wait3A_34 = tpu.memref_squeeze %dma_wait3A_33 : memref<1x16xf32, #tpu.memory_space<hbm>> -> memref<16xf32, #tpu.memory_space<hbm>>
      %dma_wait3A_35 = arith.constant 0 : i32
      %dma_wait3A_36 = tpu.memref_slice %arg6[%add3A, %dma_wait3A_35] : memref<32x16xf32, #tpu.memory_space<hbm>> -> memref<1x16xf32, #tpu.memory_space<hbm>>
      %dma_wait3A_37 = tpu.memref_squeeze %dma_wait3A_36 : memref<1x16xf32, #tpu.memory_space<hbm>> -> memref<16xf32, #tpu.memory_space<hbm>>
      tpu.wait_dma2 semaphore(%run_scoped3A : memref<!tpu.dma_semaphore, #tpu.memory_space<semaphore_mem>>) src(%arg12 : memref<16xf32, #tpu.memory_space<vmem>>) dst(%dma_wait3A_37 : memref<16xf32, #tpu.memory_space<hbm>>)
      tpu.yield
    }) : () -> ()
    return
  }
}

#map = affine_map<(d0, d1) -> (0, 0, 0, 0)>
#map1 = affine_map<(d0, d1) -> (0)>
module attributes {stable_mosaic.version = 14 : i64} {
  func.func @_tgather_body(%arg0: i32, %arg1: i32, %arg2: memref<125x8x8x128xf32, #tpu.memory_space<hbm>>, %arg3: memref<51200xi32, #tpu.memory_space<hbm>>, %arg4: memref<125x400x8x128xf32, #tpu.memory_space<hbm>>, %arg5: memref<51200xi32, #tpu.memory_space<vmem>>, %arg6: memref<8x8x128xf32, #tpu.memory_space<vmem>>, %arg7: memref<2x8x8x128xf32, #tpu.memory_space<vmem>>, %arg8: memref<!tpu.dma_semaphore, #tpu.memory_space<semaphore_mem>>, %arg9: memref<!tpu.dma_semaphore, #tpu.memory_space<semaphore_mem>>) attributes {dimension_semantics = [#tpu.dimension_semantics<core_parallel>, #tpu.dimension_semantics<subcore_parallel>], iteration_bounds = array<i64: 2, 16>, scalar_prefetch = 0 : i64, scratch_operands = 5 : i64, tpu.core_type = #tpu.core_type<sc_vector_subcore>, window_params = [{transform_indices = #map}, {transform_indices = #map1}, {transform_indices = #map}]} {
    %mul3A = arith.constant 2 : i32
    %mul3A_0 = arith.muli %arg1, %mul3A : i32
    %add3A = arith.addi %mul3A_0, %arg0 : i32
    "tpu.region"() ({
      %run_scoped3A = tpu.sem_alloc : memref<!tpu.dma_semaphore, #tpu.memory_space<semaphore_mem>>
      tpu.enqueue_dma source(%arg3 : memref<51200xi32, #tpu.memory_space<hbm>>) target(%arg5 : memref<51200xi32, #tpu.memory_space<vmem>>) target_semaphore(%run_scoped3A : memref<!tpu.dma_semaphore, #tpu.memory_space<semaphore_mem>>)
      tpu.wait_dma2 semaphore(%run_scoped3A : memref<!tpu.dma_semaphore, #tpu.memory_space<semaphore_mem>>) src(%arg3 : memref<51200xi32, #tpu.memory_space<hbm>>) dst(%arg5 : memref<51200xi32, #tpu.memory_space<vmem>>)
      tpu.yield
    }) : () -> ()
    %scan3A = arith.constant 0 : i32
    %scan3A_1 = arith.constant 0 : i32
    %scan3A_2 = arith.constant 4 : i32
    %scan3A_3 = arith.addi %scan3A_1, %scan3A_2 : i32
    %scan3A_4 = arith.constant 1 : i32
    scf.for %scan3A_6 = %scan3A_1 to %scan3A_3 step %scan3A_4  : i32 {
      %mul3A_7 = arith.constant 32 : i32
      %mul3A_8 = arith.muli %mul3A_7, %scan3A_6 : i32
      %add3A_9 = arith.addi %add3A, %mul3A_8 : i32
      %lt3A = arith.constant 125 : i32
      %lt3A_10 = arith.cmpi slt, %add3A_9, %lt3A : i32
      %convert_element_type3A = arith.extui %lt3A_10 : i1 to i32
      %cond3A = arith.constant 0 : i32
      %cond3A_11 = arith.cmpi ne, %convert_element_type3A, %cond3A : i32
      scf.if %cond3A_11 {
        "tpu.region"() ({
          %run_scoped3A = tpu.sem_alloc : memref<!tpu.dma_semaphore, #tpu.memory_space<semaphore_mem>>
          %dma_start3A = arith.constant 0 : i32
          %dma_start3A_61 = arith.constant 0 : i32
          %dma_start3A_62 = arith.constant 0 : i32
          %dma_start3A_63 = tpu.memref_slice %arg2[%add3A_9, %dma_start3A, %dma_start3A_61, %dma_start3A_62] : memref<125x8x8x128xf32, #tpu.memory_space<hbm>> -> memref<1x8x8x128xf32, #tpu.memory_space<hbm>>
          %dma_start3A_64 = tpu.memref_squeeze %dma_start3A_63 : memref<1x8x8x128xf32, #tpu.memory_space<hbm>> -> memref<8x8x128xf32, #tpu.memory_space<hbm>>
          %dma_start3A_65 = arith.constant 0 : i32
          %dma_start3A_66 = arith.constant 0 : i32
          %dma_start3A_67 = arith.constant 0 : i32
          %dma_start3A_68 = tpu.memref_slice %arg2[%add3A_9, %dma_start3A_65, %dma_start3A_66, %dma_start3A_67] : memref<125x8x8x128xf32, #tpu.memory_space<hbm>> -> memref<1x8x8x128xf32, #tpu.memory_space<hbm>>
          %dma_start3A_69 = tpu.memref_squeeze %dma_start3A_68 : memref<1x8x8x128xf32, #tpu.memory_space<hbm>> -> memref<8x8x128xf32, #tpu.memory_space<hbm>>
          tpu.enqueue_dma source(%dma_start3A_69 : memref<8x8x128xf32, #tpu.memory_space<hbm>>) target(%arg6 : memref<8x8x128xf32, #tpu.memory_space<vmem>>) target_semaphore(%run_scoped3A : memref<!tpu.dma_semaphore, #tpu.memory_space<semaphore_mem>>)
          %dma_wait3A_70 = arith.constant 0 : i32
          %dma_wait3A_71 = arith.constant 0 : i32
          %dma_wait3A_72 = arith.constant 0 : i32
          %dma_wait3A_73 = tpu.memref_slice %arg2[%add3A_9, %dma_wait3A_70, %dma_wait3A_71, %dma_wait3A_72] : memref<125x8x8x128xf32, #tpu.memory_space<hbm>> -> memref<1x8x8x128xf32, #tpu.memory_space<hbm>>
          %dma_wait3A_74 = tpu.memref_squeeze %dma_wait3A_73 : memref<1x8x8x128xf32, #tpu.memory_space<hbm>> -> memref<8x8x128xf32, #tpu.memory_space<hbm>>
          %dma_wait3A_75 = arith.constant 0 : i32
          %dma_wait3A_76 = arith.constant 0 : i32
          %dma_wait3A_77 = arith.constant 0 : i32
          %dma_wait3A_78 = tpu.memref_slice %arg2[%add3A_9, %dma_wait3A_75, %dma_wait3A_76, %dma_wait3A_77] : memref<125x8x8x128xf32, #tpu.memory_space<hbm>> -> memref<1x8x8x128xf32, #tpu.memory_space<hbm>>
          %dma_wait3A_79 = tpu.memref_squeeze %dma_wait3A_78 : memref<1x8x8x128xf32, #tpu.memory_space<hbm>> -> memref<8x8x128xf32, #tpu.memory_space<hbm>>
          tpu.wait_dma2 semaphore(%run_scoped3A : memref<!tpu.dma_semaphore, #tpu.memory_space<semaphore_mem>>) src(%dma_wait3A_79 : memref<8x8x128xf32, #tpu.memory_space<hbm>>) dst(%arg6 : memref<8x8x128xf32, #tpu.memory_space<vmem>>)
          tpu.yield
        }) : () -> ()
        %scan3A_12 = arith.constant 0 : i32
        %scan3A_13 = arith.constant 0 : i32
        %scan3A_14 = arith.constant 25 : i32
        %scan3A_15 = arith.addi %scan3A_13, %scan3A_14 : i32
        %scan3A_16 = arith.constant 1 : i32
        scf.for %scan3A_61 = %scan3A_13 to %scan3A_15 step %scan3A_16  : i32 {
          %mul3A_62 = arith.constant 2 : i32
          %mul3A_63 = arith.muli %scan3A_61, %mul3A_62 : i32
          %add3A_64 = arith.constant 0 : i32
          %add3A_65 = arith.addi %mul3A_63, %add3A_64 : i32
          %gt3A = arith.constant 0 : i32
          %gt3A_66 = arith.cmpi sgt, %scan3A_61, %gt3A : i32
          %convert_element_type3A_67 = arith.extui %gt3A_66 : i1 to i32
          %cond3A_68 = arith.constant 0 : i32
          %cond3A_69 = arith.cmpi ne, %convert_element_type3A_67, %cond3A_68 : i32
          scf.if %cond3A_69 {
            %dma_wait3A_125 = arith.constant 0 : i32
            %dma_wait3A_126 = arith.constant 0 : i32
            %dma_wait3A_127 = arith.constant 0 : i32
            %dma_wait3A_128 = arith.constant 0 : i32
            %dma_wait3A_129 = arith.constant 0 : i32
            %dma_wait3A_130 = tpu.memref_slice %arg7[%dma_wait3A_125, %dma_wait3A_127, %dma_wait3A_128, %dma_wait3A_129] : memref<2x8x8x128xf32, #tpu.memory_space<vmem>> -> memref<1x8x8x128xf32, #tpu.memory_space<vmem>>
            %dma_wait3A_131 = tpu.memref_squeeze %dma_wait3A_130 : memref<1x8x8x128xf32, #tpu.memory_space<vmem>> -> memref<8x8x128xf32, #tpu.memory_space<vmem>>
            %dma_wait3A_132 = arith.constant 0 : i32
            %dma_wait3A_133 = arith.constant 0 : i32
            %dma_wait3A_134 = arith.constant 0 : i32
            %dma_wait3A_135 = tpu.memref_slice %arg4[%dma_wait3A_126, %dma_wait3A_132, %dma_wait3A_133, %dma_wait3A_134] : memref<125x400x8x128xf32, #tpu.memory_space<hbm>> -> memref<1x8x8x128xf32, #tpu.memory_space<hbm>>
            %dma_wait3A_136 = tpu.memref_squeeze %dma_wait3A_135 : memref<1x8x8x128xf32, #tpu.memory_space<hbm>> -> memref<8x8x128xf32, #tpu.memory_space<hbm>>
            %dma_wait3A_137 = arith.constant 0 : i32
            %dma_wait3A_138 = arith.constant 0 : i32
            %dma_wait3A_139 = arith.constant 0 : i32
            %dma_wait3A_140 = tpu.memref_slice %arg4[%dma_wait3A_126, %dma_wait3A_137, %dma_wait3A_138, %dma_wait3A_139] : memref<125x400x8x128xf32, #tpu.memory_space<hbm>> -> memref<1x8x8x128xf32, #tpu.memory_space<hbm>>
            %dma_wait3A_141 = tpu.memref_squeeze %dma_wait3A_140 : memref<1x8x8x128xf32, #tpu.memory_space<hbm>> -> memref<8x8x128xf32, #tpu.memory_space<hbm>>
            %dma_wait3A_142 = arith.constant 0 : i32
            %dma_wait3A_143 = arith.constant 0 : i32
            %dma_wait3A_144 = arith.constant 0 : i32
            %dma_wait3A_145 = tpu.memref_slice %arg7[%dma_wait3A_125, %dma_wait3A_142, %dma_wait3A_143, %dma_wait3A_144] : memref<2x8x8x128xf32, #tpu.memory_space<vmem>> -> memref<1x8x8x128xf32, #tpu.memory_space<vmem>>
            %dma_wait3A_146 = tpu.memref_squeeze %dma_wait3A_145 : memref<1x8x8x128xf32, #tpu.memory_space<vmem>> -> memref<8x8x128xf32, #tpu.memory_space<vmem>>
            tpu.wait_dma2 semaphore(%arg8 : memref<!tpu.dma_semaphore, #tpu.memory_space<semaphore_mem>>) src(%dma_wait3A_146 : memref<8x8x128xf32, #tpu.memory_space<vmem>>) dst(%dma_wait3A_141 : memref<8x8x128xf32, #tpu.memory_space<hbm>>)
          } else {
          }
          %parallel_loop3A = arith.constant 0 : i32
          %parallel_loop3A_70 = arith.constant 64 : i32
          %parallel_loop3A_71 = arith.constant 1 : i32
          scf.for %parallel_loop3A_125 = %parallel_loop3A to %parallel_loop3A_70 step %parallel_loop3A_71  : i32 {
            %parallel_loop3A_126 = arith.constant 1024 : i32
            %parallel_loop3A_127 = arith.muli %add3A_65, %parallel_loop3A_126 : i32
            %parallel_loop3A_128 = arith.constant 16 : i32
            %parallel_loop3A_129 = arith.muli %parallel_loop3A_125, %parallel_loop3A_128 : i32
            %parallel_loop3A_130 = arith.addi %parallel_loop3A_127, %parallel_loop3A_129 : i32
            %parallel_loop3A_131 = arith.index_cast %parallel_loop3A_130 : i32 to index
            %parallel_loop3A_132 = tpu.vector_load %arg5[%parallel_loop3A_131] {strides = array<i32>} : memref<51200xi32, #tpu.memory_space<vmem>>, vector<16xi32>,
            %parallel_loop3A_133 = arith.constant 0 : i32
            %parallel_loop3A_134 = vector.broadcast %parallel_loop3A_133 : i32 to vector<16xi32>
            %parallel_loop3A_135 = arith.constant 7 : i32
            %parallel_loop3A_136 = vector.broadcast %parallel_loop3A_135 : i32 to vector<16xi32>
            %parallel_loop3A_137 = arith.shrui %parallel_loop3A_132, %parallel_loop3A_136 : vector<16xi32>
            %parallel_loop3A_138 = arith.constant 10 : i32
            %parallel_loop3A_139 = vector.broadcast %parallel_loop3A_138 : i32 to vector<16xi32>
            %parallel_loop3A_140 = arith.shli %parallel_loop3A_137, %parallel_loop3A_139 : vector<16xi32>
            %parallel_loop3A_141 = arith.constant 127 : i32
            %parallel_loop3A_142 = vector.broadcast %parallel_loop3A_141 : i32 to vector<16xi32>
            %parallel_loop3A_143 = arith.andi %parallel_loop3A_132, %parallel_loop3A_142 : vector<16xi32>
            %parallel_loop3A_144 = arith.ori %parallel_loop3A_140, %parallel_loop3A_143 : vector<16xi32>
            %parallel_loop3A_145 = arith.constant 8 : i32
            %parallel_loop3A_146 = arith.divsi %parallel_loop3A_125, %parallel_loop3A_145 : i32
            %parallel_loop3A_147 = arith.constant 0 : i32
            %parallel_loop3A_148 = arith.cmpi sgt, %parallel_loop3A_125, %parallel_loop3A_147 : i32
            %parallel_loop3A_149 = arith.extui %parallel_loop3A_148 : i1 to i32
            %parallel_loop3A_150 = arith.constant 0 : i32
            %parallel_loop3A_151 = arith.cmpi slt, %parallel_loop3A_125, %parallel_loop3A_150 : i32
            %parallel_loop3A_152 = arith.extui %parallel_loop3A_151 : i1 to i32
            %parallel_loop3A_153 = arith.subi %parallel_loop3A_149, %parallel_loop3A_152 : i32
            %parallel_loop3A_154 = arith.constant 0 : i32
            %parallel_loop3A_155 = arith.cmpi sgt, %parallel_loop3A_145, %parallel_loop3A_154 : i32
            %parallel_loop3A_156 = arith.extui %parallel_loop3A_155 : i1 to i32
            %parallel_loop3A_157 = arith.constant 0 : i32
            %parallel_loop3A_158 = arith.cmpi slt, %parallel_loop3A_145, %parallel_loop3A_157 : i32
            %parallel_loop3A_159 = arith.extui %parallel_loop3A_158 : i1 to i32
            %parallel_loop3A_160 = arith.subi %parallel_loop3A_156, %parallel_loop3A_159 : i32
            %parallel_loop3A_161 = arith.cmpi ne, %parallel_loop3A_153, %parallel_loop3A_160 : i32
            %parallel_loop3A_162 = arith.remsi %parallel_loop3A_125, %parallel_loop3A_145 : i32
            %parallel_loop3A_163 = arith.constant 0 : i32
            %parallel_loop3A_164 = arith.cmpi ne, %parallel_loop3A_162, %parallel_loop3A_163 : i32
            %parallel_loop3A_165 = arith.andi %parallel_loop3A_161, %parallel_loop3A_164 : i1
            %parallel_loop3A_166 = arith.constant 1 : i32
            %parallel_loop3A_167 = arith.subi %parallel_loop3A_146, %parallel_loop3A_166 : i32
            %parallel_loop3A_168 = arith.select %parallel_loop3A_165, %parallel_loop3A_167, %parallel_loop3A_146 : i32
            %parallel_loop3A_169 = arith.constant 8 : i32
            %parallel_loop3A_170 = arith.constant 0 : i32
            %parallel_loop3A_171 = arith.cmpi eq, %parallel_loop3A_169, %parallel_loop3A_170 : i32
            %parallel_loop3A_172 = arith.constant 1 : i32
            %parallel_loop3A_173 = arith.select %parallel_loop3A_171, %parallel_loop3A_172, %parallel_loop3A_169 : i32
            %parallel_loop3A_174 = arith.remsi %parallel_loop3A_125, %parallel_loop3A_173 : i32
            %parallel_loop3A_175 = arith.constant 0 : i32
            %parallel_loop3A_176 = arith.cmpi ne, %parallel_loop3A_174, %parallel_loop3A_175 : i32
            %parallel_loop3A_177 = arith.constant 0 : i32
            %parallel_loop3A_178 = arith.cmpi slt, %parallel_loop3A_174, %parallel_loop3A_177 : i32
            %parallel_loop3A_179 = arith.constant 0 : i32
            %parallel_loop3A_180 = arith.cmpi slt, %parallel_loop3A_173, %parallel_loop3A_179 : i32
            %parallel_loop3A_181 = arith.xori %parallel_loop3A_178, %parallel_loop3A_180 : i1
            %parallel_loop3A_182 = arith.andi %parallel_loop3A_181, %parallel_loop3A_176 : i1
            %parallel_loop3A_183 = arith.addi %parallel_loop3A_174, %parallel_loop3A_173 : i32
            %parallel_loop3A_184 = arith.select %parallel_loop3A_182, %parallel_loop3A_183, %parallel_loop3A_174 : i32
            %parallel_loop3A_185 = arith.constant 16 : i32
            %parallel_loop3A_186 = arith.muli %parallel_loop3A_184, %parallel_loop3A_185 : i32
            %parallel_loop3A_187 = arith.constant 0 : i32
            %parallel_loop3A_188 = vector.broadcast %parallel_loop3A_187 : i32 to vector<16xi32>
            %parallel_loop3A_189 = arith.addi %parallel_loop3A_144, %parallel_loop3A_188 : vector<16xi32>
            %parallel_loop3A_190 = tpu.vector_load_idx %arg6[%parallel_loop3A_134, %parallel_loop3A_134, %parallel_loop3A_189] : memref<8x8x128xf32, #tpu.memory_space<vmem>>[vector<16xi32>, vector<16xi32>, vector<16xi32>], vector<16xf32>,
            %parallel_loop3A_191 = arith.constant 0 : i32
            %parallel_loop3A_192 = arith.constant 0 : i32
            %parallel_loop3A_193 = arith.index_cast %parallel_loop3A_191 : i32 to index
            %parallel_loop3A_194 = arith.index_cast %parallel_loop3A_168 : i32 to index
            %parallel_loop3A_195 = arith.index_cast %parallel_loop3A_192 : i32 to index
            %parallel_loop3A_196 = arith.index_cast %parallel_loop3A_186 : i32 to index
            %parallel_loop3A_197 = tpu.vector_load %arg7[%parallel_loop3A_193, %parallel_loop3A_194, %parallel_loop3A_195, %parallel_loop3A_196] {strides = array<i32>} : memref<2x8x8x128xf32, #tpu.memory_space<vmem>>, vector<16xf32>,
            tpu.vector_store %arg7[%parallel_loop3A_193, %parallel_loop3A_194, %parallel_loop3A_195, %parallel_loop3A_196], %parallel_loop3A_190 {strides = array<i32>} : memref<2x8x8x128xf32, #tpu.memory_space<vmem>>, vector<16xf32>,
            %parallel_loop3A_198 = arith.constant 128 : i32
            %parallel_loop3A_199 = vector.broadcast %parallel_loop3A_198 : i32 to vector<16xi32>
            %parallel_loop3A_200 = arith.addi %parallel_loop3A_144, %parallel_loop3A_199 : vector<16xi32>
            %parallel_loop3A_201 = tpu.vector_load_idx %arg6[%parallel_loop3A_134, %parallel_loop3A_134, %parallel_loop3A_200] : memref<8x8x128xf32, #tpu.memory_space<vmem>>[vector<16xi32>, vector<16xi32>, vector<16xi32>], vector<16xf32>,
            %parallel_loop3A_202 = arith.constant 0 : i32
            %parallel_loop3A_203 = arith.constant 1 : i32
            %parallel_loop3A_204 = arith.index_cast %parallel_loop3A_202 : i32 to index
            %parallel_loop3A_205 = arith.index_cast %parallel_loop3A_168 : i32 to index
            %parallel_loop3A_206 = arith.index_cast %parallel_loop3A_203 : i32 to index
            %parallel_loop3A_207 = arith.index_cast %parallel_loop3A_186 : i32 to index
            %parallel_loop3A_208 = tpu.vector_load %arg7[%parallel_loop3A_204, %parallel_loop3A_205, %parallel_loop3A_206, %parallel_loop3A_207] {strides = array<i32>} : memref<2x8x8x128xf32, #tpu.memory_space<vmem>>, vector<16xf32>,
            tpu.vector_store %arg7[%parallel_loop3A_204, %parallel_loop3A_205, %parallel_loop3A_206, %parallel_loop3A_207], %parallel_loop3A_201 {strides = array<i32>} : memref<2x8x8x128xf32, #tpu.memory_space<vmem>>, vector<16xf32>,
            %parallel_loop3A_209 = arith.constant 256 : i32
            %parallel_loop3A_210 = vector.broadcast %parallel_loop3A_209 : i32 to vector<16xi32>
            %parallel_loop3A_211 = arith.addi %parallel_loop3A_144, %parallel_loop3A_210 : vector<16xi32>
            %parallel_loop3A_212 = tpu.vector_load_idx %arg6[%parallel_loop3A_134, %parallel_loop3A_134, %parallel_loop3A_211] : memref<8x8x128xf32, #tpu.memory_space<vmem>>[vector<16xi32>, vector<16xi32>, vector<16xi32>], vector<16xf32>,
            %parallel_loop3A_213 = arith.constant 0 : i32
            %parallel_loop3A_214 = arith.constant 2 : i32
            %parallel_loop3A_215 = arith.index_cast %parallel_loop3A_213 : i32 to index
            %parallel_loop3A_216 = arith.index_cast %parallel_loop3A_168 : i32 to index
            %parallel_loop3A_217 = arith.index_cast %parallel_loop3A_214 : i32 to index
            %parallel_loop3A_218 = arith.index_cast %parallel_loop3A_186 : i32 to index
            %parallel_loop3A_219 = tpu.vector_load %arg7[%parallel_loop3A_215, %parallel_loop3A_216, %parallel_loop3A_217, %parallel_loop3A_218] {strides = array<i32>} : memref<2x8x8x128xf32, #tpu.memory_space<vmem>>, vector<16xf32>,
            tpu.vector_store %arg7[%parallel_loop3A_215, %parallel_loop3A_216, %parallel_loop3A_217, %parallel_loop3A_218], %parallel_loop3A_212 {strides = array<i32>} : memref<2x8x8x128xf32, #tpu.memory_space<vmem>>, vector<16xf32>,
            %parallel_loop3A_220 = arith.constant 384 : i32
            %parallel_loop3A_221 = vector.broadcast %parallel_loop3A_220 : i32 to vector<16xi32>
            %parallel_loop3A_222 = arith.addi %parallel_loop3A_144, %parallel_loop3A_221 : vector<16xi32>
            %parallel_loop3A_223 = tpu.vector_load_idx %arg6[%parallel_loop3A_134, %parallel_loop3A_134, %parallel_loop3A_222] : memref<8x8x128xf32, #tpu.memory_space<vmem>>[vector<16xi32>, vector<16xi32>, vector<16xi32>], vector<16xf32>,
            %parallel_loop3A_224 = arith.constant 0 : i32
            %parallel_loop3A_225 = arith.constant 3 : i32
            %parallel_loop3A_226 = arith.index_cast %parallel_loop3A_224 : i32 to index
            %parallel_loop3A_227 = arith.index_cast %parallel_loop3A_168 : i32 to index
            %parallel_loop3A_228 = arith.index_cast %parallel_loop3A_225 : i32 to index
            %parallel_loop3A_229 = arith.index_cast %parallel_loop3A_186 : i32 to index
            %parallel_loop3A_230 = tpu.vector_load %arg7[%parallel_loop3A_226, %parallel_loop3A_227, %parallel_loop3A_228, %parallel_loop3A_229] {strides = array<i32>} : memref<2x8x8x128xf32, #tpu.memory_space<vmem>>, vector<16xf32>,
            tpu.vector_store %arg7[%parallel_loop3A_226, %parallel_loop3A_227, %parallel_loop3A_228, %parallel_loop3A_229], %parallel_loop3A_223 {strides = array<i32>} : memref<2x8x8x128xf32, #tpu.memory_space<vmem>>, vector<16xf32>,
            %parallel_loop3A_231 = arith.constant 512 : i32
            %parallel_loop3A_232 = vector.broadcast %parallel_loop3A_231 : i32 to vector<16xi32>
            %parallel_loop3A_233 = arith.addi %parallel_loop3A_144, %parallel_loop3A_232 : vector<16xi32>
            %parallel_loop3A_234 = tpu.vector_load_idx %arg6[%parallel_loop3A_134, %parallel_loop3A_134, %parallel_loop3A_233] : memref<8x8x128xf32, #tpu.memory_space<vmem>>[vector<16xi32>, vector<16xi32>, vector<16xi32>], vector<16xf32>,
            %parallel_loop3A_235 = arith.constant 0 : i32
            %parallel_loop3A_236 = arith.constant 4 : i32
            %parallel_loop3A_237 = arith.index_cast %parallel_loop3A_235 : i32 to index
            %parallel_loop3A_238 = arith.index_cast %parallel_loop3A_168 : i32 to index
            %parallel_loop3A_239 = arith.index_cast %parallel_loop3A_236 : i32 to index
            %parallel_loop3A_240 = arith.index_cast %parallel_loop3A_186 : i32 to index
            %parallel_loop3A_241 = tpu.vector_load %arg7[%parallel_loop3A_237, %parallel_loop3A_238, %parallel_loop3A_239, %parallel_loop3A_240] {strides = array<i32>} : memref<2x8x8x128xf32, #tpu.memory_space<vmem>>, vector<16xf32>,
            tpu.vector_store %arg7[%parallel_loop3A_237, %parallel_loop3A_238, %parallel_loop3A_239, %parallel_loop3A_240], %parallel_loop3A_234 {strides = array<i32>} : memref<2x8x8x128xf32, #tpu.memory_space<vmem>>, vector<16xf32>,
            %parallel_loop3A_242 = arith.constant 640 : i32
            %parallel_loop3A_243 = vector.broadcast %parallel_loop3A_242 : i32 to vector<16xi32>
            %parallel_loop3A_244 = arith.addi %parallel_loop3A_144, %parallel_loop3A_243 : vector<16xi32>
            %parallel_loop3A_245 = tpu.vector_load_idx %arg6[%parallel_loop3A_134, %parallel_loop3A_134, %parallel_loop3A_244] : memref<8x8x128xf32, #tpu.memory_space<vmem>>[vector<16xi32>, vector<16xi32>, vector<16xi32>], vector<16xf32>,
            %parallel_loop3A_246 = arith.constant 0 : i32
            %parallel_loop3A_247 = arith.constant 5 : i32
            %parallel_loop3A_248 = arith.index_cast %parallel_loop3A_246 : i32 to index
            %parallel_loop3A_249 = arith.index_cast %parallel_loop3A_168 : i32 to index
            %parallel_loop3A_250 = arith.index_cast %parallel_loop3A_247 : i32 to index
            %parallel_loop3A_251 = arith.index_cast %parallel_loop3A_186 : i32 to index
            %parallel_loop3A_252 = tpu.vector_load %arg7[%parallel_loop3A_248, %parallel_loop3A_249, %parallel_loop3A_250, %parallel_loop3A_251] {strides = array<i32>} : memref<2x8x8x128xf32, #tpu.memory_space<vmem>>, vector<16xf32>,
            tpu.vector_store %arg7[%parallel_loop3A_248, %parallel_loop3A_249, %parallel_loop3A_250, %parallel_loop3A_251], %parallel_loop3A_245 {strides = array<i32>} : memref<2x8x8x128xf32, #tpu.memory_space<vmem>>, vector<16xf32>,
            %parallel_loop3A_253 = arith.constant 768 : i32
            %parallel_loop3A_254 = vector.broadcast %parallel_loop3A_253 : i32 to vector<16xi32>
            %parallel_loop3A_255 = arith.addi %parallel_loop3A_144, %parallel_loop3A_254 : vector<16xi32>
            %parallel_loop3A_256 = tpu.vector_load_idx %arg6[%parallel_loop3A_134, %parallel_loop3A_134, %parallel_loop3A_255] : memref<8x8x128xf32, #tpu.memory_space<vmem>>[vector<16xi32>, vector<16xi32>, vector<16xi32>], vector<16xf32>,
            %parallel_loop3A_257 = arith.constant 0 : i32
            %parallel_loop3A_258 = arith.constant 6 : i32
            %parallel_loop3A_259 = arith.index_cast %parallel_loop3A_257 : i32 to index
            %parallel_loop3A_260 = arith.index_cast %parallel_loop3A_168 : i32 to index
            %parallel_loop3A_261 = arith.index_cast %parallel_loop3A_258 : i32 to index
            %parallel_loop3A_262 = arith.index_cast %parallel_loop3A_186 : i32 to index
            %parallel_loop3A_263 = tpu.vector_load %arg7[%parallel_loop3A_259, %parallel_loop3A_260, %parallel_loop3A_261, %parallel_loop3A_262] {strides = array<i32>} : memref<2x8x8x128xf32, #tpu.memory_space<vmem>>, vector<16xf32>,
            tpu.vector_store %arg7[%parallel_loop3A_259, %parallel_loop3A_260, %parallel_loop3A_261, %parallel_loop3A_262], %parallel_loop3A_256 {strides = array<i32>} : memref<2x8x8x128xf32, #tpu.memory_space<vmem>>, vector<16xf32>,
            %parallel_loop3A_264 = arith.constant 896 : i32
            %parallel_loop3A_265 = vector.broadcast %parallel_loop3A_264 : i32 to vector<16xi32>
            %parallel_loop3A_266 = arith.addi %parallel_loop3A_144, %parallel_loop3A_265 : vector<16xi32>
            %parallel_loop3A_267 = tpu.vector_load_idx %arg6[%parallel_loop3A_134, %parallel_loop3A_134, %parallel_loop3A_266] : memref<8x8x128xf32, #tpu.memory_space<vmem>>[vector<16xi32>, vector<16xi32>, vector<16xi32>], vector<16xf32>,
            %parallel_loop3A_268 = arith.constant 0 : i32
            %parallel_loop3A_269 = arith.constant 7 : i32
            %parallel_loop3A_270 = arith.index_cast %parallel_loop3A_268 : i32 to index
            %parallel_loop3A_271 = arith.index_cast %parallel_loop3A_168 : i32 to index
            %parallel_loop3A_272 = arith.index_cast %parallel_loop3A_269 : i32 to index
            %parallel_loop3A_273 = arith.index_cast %parallel_loop3A_186 : i32 to index
            %parallel_loop3A_274 = tpu.vector_load %arg7[%parallel_loop3A_270, %parallel_loop3A_271, %parallel_loop3A_272, %parallel_loop3A_273] {strides = array<i32>} : memref<2x8x8x128xf32, #tpu.memory_space<vmem>>, vector<16xf32>,
            tpu.vector_store %arg7[%parallel_loop3A_270, %parallel_loop3A_271, %parallel_loop3A_272, %parallel_loop3A_273], %parallel_loop3A_267 {strides = array<i32>} : memref<2x8x8x128xf32, #tpu.memory_space<vmem>>, vector<16xf32>,
          } {sc.loop_unroll_factor = 8 : i64, sc.parallel_access}
          %mul3A_72 = arith.constant 8 : i32
          %mul3A_73 = arith.muli %add3A_65, %mul3A_72 : i32
          %dma_start3A = arith.constant 0 : i32
          %dma_start3A_74 = arith.constant 0 : i32
          %dma_start3A_75 = arith.constant 0 : i32
          %dma_start3A_76 = arith.constant 0 : i32
          %dma_start3A_77 = tpu.memref_slice %arg7[%dma_start3A, %dma_start3A_74, %dma_start3A_75, %dma_start3A_76] : memref<2x8x8x128xf32, #tpu.memory_space<vmem>> -> memref<1x8x8x128xf32, #tpu.memory_space<vmem>>
          %dma_start3A_78 = tpu.memref_squeeze %dma_start3A_77 : memref<1x8x8x128xf32, #tpu.memory_space<vmem>> -> memref<8x8x128xf32, #tpu.memory_space<vmem>>
          %dma_start3A_79 = arith.constant 0 : i32
          %dma_start3A_80 = arith.constant 0 : i32
          %dma_start3A_81 = tpu.memref_slice %arg4[%add3A_9, %mul3A_73, %dma_start3A_79, %dma_start3A_80] : memref<125x400x8x128xf32, #tpu.memory_space<hbm>> -> memref<1x8x8x128xf32, #tpu.memory_space<hbm>>
          %dma_start3A_82 = tpu.memref_squeeze %dma_start3A_81 : memref<1x8x8x128xf32, #tpu.memory_space<hbm>> -> memref<8x8x128xf32, #tpu.memory_space<hbm>>
          %dma_start3A_83 = arith.constant 0 : i32
          %dma_start3A_84 = arith.constant 0 : i32
          %dma_start3A_85 = tpu.memref_slice %arg4[%add3A_9, %mul3A_73, %dma_start3A_83, %dma_start3A_84] : memref<125x400x8x128xf32, #tpu.memory_space<hbm>> -> memref<1x8x8x128xf32, #tpu.memory_space<hbm>>
          %dma_start3A_86 = tpu.memref_squeeze %dma_start3A_85 : memref<1x8x8x128xf32, #tpu.memory_space<hbm>> -> memref<8x8x128xf32, #tpu.memory_space<hbm>>
          %dma_start3A_87 = arith.constant 0 : i32
          %dma_start3A_88 = arith.constant 0 : i32
          %dma_start3A_89 = arith.constant 0 : i32
          %dma_start3A_90 = tpu.memref_slice %arg7[%dma_start3A, %dma_start3A_87, %dma_start3A_88, %dma_start3A_89] : memref<2x8x8x128xf32, #tpu.memory_space<vmem>> -> memref<1x8x8x128xf32, #tpu.memory_space<vmem>>
          %dma_start3A_91 = tpu.memref_squeeze %dma_start3A_90 : memref<1x8x8x128xf32, #tpu.memory_space<vmem>> -> memref<8x8x128xf32, #tpu.memory_space<vmem>>
          tpu.enqueue_dma source(%dma_start3A_91 : memref<8x8x128xf32, #tpu.memory_space<vmem>>) target(%dma_start3A_86 : memref<8x8x128xf32, #tpu.memory_space<hbm>>) target_semaphore(%arg8 : memref<!tpu.dma_semaphore, #tpu.memory_space<semaphore_mem>>)
          %mul3A_92 = arith.constant 2 : i32
          %mul3A_93 = arith.muli %scan3A_61, %mul3A_92 : i32
          %add3A_94 = arith.constant 1 : i32
          %add3A_95 = arith.addi %mul3A_93, %add3A_94 : i32
          %gt3A_96 = arith.constant 0 : i32
          %gt3A_97 = arith.cmpi sgt, %scan3A_61, %gt3A_96 : i32
          %convert_element_type3A_98 = arith.extui %gt3A_97 : i1 to i32
          %cond3A_99 = arith.constant 0 : i32
          %cond3A_100 = arith.cmpi ne, %convert_element_type3A_98, %cond3A_99 : i32
          scf.if %cond3A_100 {
            %dma_wait3A_125 = arith.constant 1 : i32
            %dma_wait3A_126 = arith.constant 0 : i32
            %dma_wait3A_127 = arith.constant 0 : i32
            %dma_wait3A_128 = arith.constant 0 : i32
            %dma_wait3A_129 = arith.constant 0 : i32
            %dma_wait3A_130 = tpu.memref_slice %arg7[%dma_wait3A_125, %dma_wait3A_127, %dma_wait3A_128, %dma_wait3A_129] : memref<2x8x8x128xf32, #tpu.memory_space<vmem>> -> memref<1x8x8x128xf32, #tpu.memory_space<vmem>>
            %dma_wait3A_131 = tpu.memref_squeeze %dma_wait3A_130 : memref<1x8x8x128xf32, #tpu.memory_space<vmem>> -> memref<8x8x128xf32, #tpu.memory_space<vmem>>
            %dma_wait3A_132 = arith.constant 0 : i32
            %dma_wait3A_133 = arith.constant 0 : i32
            %dma_wait3A_134 = arith.constant 0 : i32
            %dma_wait3A_135 = tpu.memref_slice %arg4[%dma_wait3A_126, %dma_wait3A_132, %dma_wait3A_133, %dma_wait3A_134] : memref<125x400x8x128xf32, #tpu.memory_space<hbm>> -> memref<1x8x8x128xf32, #tpu.memory_space<hbm>>
            %dma_wait3A_136 = tpu.memref_squeeze %dma_wait3A_135 : memref<1x8x8x128xf32, #tpu.memory_space<hbm>> -> memref<8x8x128xf32, #tpu.memory_space<hbm>>
            %dma_wait3A_137 = arith.constant 0 : i32
            %dma_wait3A_138 = arith.constant 0 : i32
            %dma_wait3A_139 = arith.constant 0 : i32
            %dma_wait3A_140 = tpu.memref_slice %arg4[%dma_wait3A_126, %dma_wait3A_137, %dma_wait3A_138, %dma_wait3A_139] : memref<125x400x8x128xf32, #tpu.memory_space<hbm>> -> memref<1x8x8x128xf32, #tpu.memory_space<hbm>>
            %dma_wait3A_141 = tpu.memref_squeeze %dma_wait3A_140 : memref<1x8x8x128xf32, #tpu.memory_space<hbm>> -> memref<8x8x128xf32, #tpu.memory_space<hbm>>
            %dma_wait3A_142 = arith.constant 0 : i32
            %dma_wait3A_143 = arith.constant 0 : i32
            %dma_wait3A_144 = arith.constant 0 : i32
            %dma_wait3A_145 = tpu.memref_slice %arg7[%dma_wait3A_125, %dma_wait3A_142, %dma_wait3A_143, %dma_wait3A_144] : memref<2x8x8x128xf32, #tpu.memory_space<vmem>> -> memref<1x8x8x128xf32, #tpu.memory_space<vmem>>
            %dma_wait3A_146 = tpu.memref_squeeze %dma_wait3A_145 : memref<1x8x8x128xf32, #tpu.memory_space<vmem>> -> memref<8x8x128xf32, #tpu.memory_space<vmem>>
            tpu.wait_dma2 semaphore(%arg9 : memref<!tpu.dma_semaphore, #tpu.memory_space<semaphore_mem>>) src(%dma_wait3A_146 : memref<8x8x128xf32, #tpu.memory_space<vmem>>) dst(%dma_wait3A_141 : memref<8x8x128xf32, #tpu.memory_space<hbm>>)
          } else {
          }
          %parallel_loop3A_101 = arith.constant 0 : i32
          %parallel_loop3A_102 = arith.constant 64 : i32
          %parallel_loop3A_103 = arith.constant 1 : i32
          scf.for %parallel_loop3A_125 = %parallel_loop3A_101 to %parallel_loop3A_102 step %parallel_loop3A_103  : i32 {
            %parallel_loop3A_126 = arith.constant 1024 : i32
            %parallel_loop3A_127 = arith.muli %add3A_95, %parallel_loop3A_126 : i32
            %parallel_loop3A_128 = arith.constant 16 : i32
            %parallel_loop3A_129 = arith.muli %parallel_loop3A_125, %parallel_loop3A_128 : i32
            %parallel_loop3A_130 = arith.addi %parallel_loop3A_127, %parallel_loop3A_129 : i32
            %parallel_loop3A_131 = arith.index_cast %parallel_loop3A_130 : i32 to index
            %parallel_loop3A_132 = tpu.vector_load %arg5[%parallel_loop3A_131] {strides = array<i32>} : memref<51200xi32, #tpu.memory_space<vmem>>, vector<16xi32>,
            %parallel_loop3A_133 = arith.constant 0 : i32
            %parallel_loop3A_134 = vector.broadcast %parallel_loop3A_133 : i32 to vector<16xi32>
            %parallel_loop3A_135 = arith.constant 7 : i32
            %parallel_loop3A_136 = vector.broadcast %parallel_loop3A_135 : i32 to vector<16xi32>
            %parallel_loop3A_137 = arith.shrui %parallel_loop3A_132, %parallel_loop3A_136 : vector<16xi32>
            %parallel_loop3A_138 = arith.constant 10 : i32
            %parallel_loop3A_139 = vector.broadcast %parallel_loop3A_138 : i32 to vector<16xi32>
            %parallel_loop3A_140 = arith.shli %parallel_loop3A_137, %parallel_loop3A_139 : vector<16xi32>
            %parallel_loop3A_141 = arith.constant 127 : i32
            %parallel_loop3A_142 = vector.broadcast %parallel_loop3A_141 : i32 to vector<16xi32>
            %parallel_loop3A_143 = arith.andi %parallel_loop3A_132, %parallel_loop3A_142 : vector<16xi32>
            %parallel_loop3A_144 = arith.ori %parallel_loop3A_140, %parallel_loop3A_143 : vector<16xi32>
            %parallel_loop3A_145 = arith.constant 8 : i32
            %parallel_loop3A_146 = arith.divsi %parallel_loop3A_125, %parallel_loop3A_145 : i32
            %parallel_loop3A_147 = arith.constant 0 : i32
            %parallel_loop3A_148 = arith.cmpi sgt, %parallel_loop3A_125, %parallel_loop3A_147 : i32
            %parallel_loop3A_149 = arith.extui %parallel_loop3A_148 : i1 to i32
            %parallel_loop3A_150 = arith.constant 0 : i32
            %parallel_loop3A_151 = arith.cmpi slt, %parallel_loop3A_125, %parallel_loop3A_150 : i32
            %parallel_loop3A_152 = arith.extui %parallel_loop3A_151 : i1 to i32
            %parallel_loop3A_153 = arith.subi %parallel_loop3A_149, %parallel_loop3A_152 : i32
            %parallel_loop3A_154 = arith.constant 0 : i32
            %parallel_loop3A_155 = arith.cmpi sgt, %parallel_loop3A_145, %parallel_loop3A_154 : i32
            %parallel_loop3A_156 = arith.extui %parallel_loop3A_155 : i1 to i32
            %parallel_loop3A_157 = arith.constant 0 : i32
            %parallel_loop3A_158 = arith.cmpi slt, %parallel_loop3A_145, %parallel_loop3A_157 : i32
            %parallel_loop3A_159 = arith.extui %parallel_loop3A_158 : i1 to i32
            %parallel_loop3A_160 = arith.subi %parallel_loop3A_156, %parallel_loop3A_159 : i32
            %parallel_loop3A_161 = arith.cmpi ne, %parallel_loop3A_153, %parallel_loop3A_160 : i32
            %parallel_loop3A_162 = arith.remsi %parallel_loop3A_125, %parallel_loop3A_145 : i32
            %parallel_loop3A_163 = arith.constant 0 : i32
            %parallel_loop3A_164 = arith.cmpi ne, %parallel_loop3A_162, %parallel_loop3A_163 : i32
            %parallel_loop3A_165 = arith.andi %parallel_loop3A_161, %parallel_loop3A_164 : i1
            %parallel_loop3A_166 = arith.constant 1 : i32
            %parallel_loop3A_167 = arith.subi %parallel_loop3A_146, %parallel_loop3A_166 : i32
            %parallel_loop3A_168 = arith.select %parallel_loop3A_165, %parallel_loop3A_167, %parallel_loop3A_146 : i32
            %parallel_loop3A_169 = arith.constant 8 : i32
            %parallel_loop3A_170 = arith.constant 0 : i32
            %parallel_loop3A_171 = arith.cmpi eq, %parallel_loop3A_169, %parallel_loop3A_170 : i32
            %parallel_loop3A_172 = arith.constant 1 : i32
            %parallel_loop3A_173 = arith.select %parallel_loop3A_171, %parallel_loop3A_172, %parallel_loop3A_169 : i32
            %parallel_loop3A_174 = arith.remsi %parallel_loop3A_125, %parallel_loop3A_173 : i32
            %parallel_loop3A_175 = arith.constant 0 : i32
            %parallel_loop3A_176 = arith.cmpi ne, %parallel_loop3A_174, %parallel_loop3A_175 : i32
            %parallel_loop3A_177 = arith.constant 0 : i32
            %parallel_loop3A_178 = arith.cmpi slt, %parallel_loop3A_174, %parallel_loop3A_177 : i32
            %parallel_loop3A_179 = arith.constant 0 : i32
            %parallel_loop3A_180 = arith.cmpi slt, %parallel_loop3A_173, %parallel_loop3A_179 : i32
            %parallel_loop3A_181 = arith.xori %parallel_loop3A_178, %parallel_loop3A_180 : i1
            %parallel_loop3A_182 = arith.andi %parallel_loop3A_181, %parallel_loop3A_176 : i1
            %parallel_loop3A_183 = arith.addi %parallel_loop3A_174, %parallel_loop3A_173 : i32
            %parallel_loop3A_184 = arith.select %parallel_loop3A_182, %parallel_loop3A_183, %parallel_loop3A_174 : i32
            %parallel_loop3A_185 = arith.constant 16 : i32
            %parallel_loop3A_186 = arith.muli %parallel_loop3A_184, %parallel_loop3A_185 : i32
            %parallel_loop3A_187 = arith.constant 0 : i32
            %parallel_loop3A_188 = vector.broadcast %parallel_loop3A_187 : i32 to vector<16xi32>
            %parallel_loop3A_189 = arith.addi %parallel_loop3A_144, %parallel_loop3A_188 : vector<16xi32>
            %parallel_loop3A_190 = tpu.vector_load_idx %arg6[%parallel_loop3A_134, %parallel_loop3A_134, %parallel_loop3A_189] : memref<8x8x128xf32, #tpu.memory_space<vmem>>[vector<16xi32>, vector<16xi32>, vector<16xi32>], vector<16xf32>,
            %parallel_loop3A_191 = arith.constant 1 : i32
            %parallel_loop3A_192 = arith.constant 0 : i32
            %parallel_loop3A_193 = arith.index_cast %parallel_loop3A_191 : i32 to index
            %parallel_loop3A_194 = arith.index_cast %parallel_loop3A_168 : i32 to index
            %parallel_loop3A_195 = arith.index_cast %parallel_loop3A_192 : i32 to index
            %parallel_loop3A_196 = arith.index_cast %parallel_loop3A_186 : i32 to index
            %parallel_loop3A_197 = tpu.vector_load %arg7[%parallel_loop3A_193, %parallel_loop3A_194, %parallel_loop3A_195, %parallel_loop3A_196] {strides = array<i32>} : memref<2x8x8x128xf32, #tpu.memory_space<vmem>>, vector<16xf32>,
            tpu.vector_store %arg7[%parallel_loop3A_193, %parallel_loop3A_194, %parallel_loop3A_195, %parallel_loop3A_196], %parallel_loop3A_190 {strides = array<i32>} : memref<2x8x8x128xf32, #tpu.memory_space<vmem>>, vector<16xf32>,
            %parallel_loop3A_198 = arith.constant 128 : i32
            %parallel_loop3A_199 = vector.broadcast %parallel_loop3A_198 : i32 to vector<16xi32>
            %parallel_loop3A_200 = arith.addi %parallel_loop3A_144, %parallel_loop3A_199 : vector<16xi32>
            %parallel_loop3A_201 = tpu.vector_load_idx %arg6[%parallel_loop3A_134, %parallel_loop3A_134, %parallel_loop3A_200] : memref<8x8x128xf32, #tpu.memory_space<vmem>>[vector<16xi32>, vector<16xi32>, vector<16xi32>], vector<16xf32>,
            %parallel_loop3A_202 = arith.constant 1 : i32
            %parallel_loop3A_203 = arith.constant 1 : i32
            %parallel_loop3A_204 = arith.index_cast %parallel_loop3A_202 : i32 to index
            %parallel_loop3A_205 = arith.index_cast %parallel_loop3A_168 : i32 to index
            %parallel_loop3A_206 = arith.index_cast %parallel_loop3A_203 : i32 to index
            %parallel_loop3A_207 = arith.index_cast %parallel_loop3A_186 : i32 to index
            %parallel_loop3A_208 = tpu.vector_load %arg7[%parallel_loop3A_204, %parallel_loop3A_205, %parallel_loop3A_206, %parallel_loop3A_207] {strides = array<i32>} : memref<2x8x8x128xf32, #tpu.memory_space<vmem>>, vector<16xf32>,
            tpu.vector_store %arg7[%parallel_loop3A_204, %parallel_loop3A_205, %parallel_loop3A_206, %parallel_loop3A_207], %parallel_loop3A_201 {strides = array<i32>} : memref<2x8x8x128xf32, #tpu.memory_space<vmem>>, vector<16xf32>,
            %parallel_loop3A_209 = arith.constant 256 : i32
            %parallel_loop3A_210 = vector.broadcast %parallel_loop3A_209 : i32 to vector<16xi32>
            %parallel_loop3A_211 = arith.addi %parallel_loop3A_144, %parallel_loop3A_210 : vector<16xi32>
            %parallel_loop3A_212 = tpu.vector_load_idx %arg6[%parallel_loop3A_134, %parallel_loop3A_134, %parallel_loop3A_211] : memref<8x8x128xf32, #tpu.memory_space<vmem>>[vector<16xi32>, vector<16xi32>, vector<16xi32>], vector<16xf32>,
            %parallel_loop3A_213 = arith.constant 1 : i32
            %parallel_loop3A_214 = arith.constant 2 : i32
            %parallel_loop3A_215 = arith.index_cast %parallel_loop3A_213 : i32 to index
            %parallel_loop3A_216 = arith.index_cast %parallel_loop3A_168 : i32 to index
            %parallel_loop3A_217 = arith.index_cast %parallel_loop3A_214 : i32 to index
            %parallel_loop3A_218 = arith.index_cast %parallel_loop3A_186 : i32 to index
            %parallel_loop3A_219 = tpu.vector_load %arg7[%parallel_loop3A_215, %parallel_loop3A_216, %parallel_loop3A_217, %parallel_loop3A_218] {strides = array<i32>} : memref<2x8x8x128xf32, #tpu.memory_space<vmem>>, vector<16xf32>,
            tpu.vector_store %arg7[%parallel_loop3A_215, %parallel_loop3A_216, %parallel_loop3A_217, %parallel_loop3A_218], %parallel_loop3A_212 {strides = array<i32>} : memref<2x8x8x128xf32, #tpu.memory_space<vmem>>, vector<16xf32>,
            %parallel_loop3A_220 = arith.constant 384 : i32
            %parallel_loop3A_221 = vector.broadcast %parallel_loop3A_220 : i32 to vector<16xi32>
            %parallel_loop3A_222 = arith.addi %parallel_loop3A_144, %parallel_loop3A_221 : vector<16xi32>
            %parallel_loop3A_223 = tpu.vector_load_idx %arg6[%parallel_loop3A_134, %parallel_loop3A_134, %parallel_loop3A_222] : memref<8x8x128xf32, #tpu.memory_space<vmem>>[vector<16xi32>, vector<16xi32>, vector<16xi32>], vector<16xf32>,
            %parallel_loop3A_224 = arith.constant 1 : i32
            %parallel_loop3A_225 = arith.constant 3 : i32
            %parallel_loop3A_226 = arith.index_cast %parallel_loop3A_224 : i32 to index
            %parallel_loop3A_227 = arith.index_cast %parallel_loop3A_168 : i32 to index
            %parallel_loop3A_228 = arith.index_cast %parallel_loop3A_225 : i32 to index
            %parallel_loop3A_229 = arith.index_cast %parallel_loop3A_186 : i32 to index
            %parallel_loop3A_230 = tpu.vector_load %arg7[%parallel_loop3A_226, %parallel_loop3A_227, %parallel_loop3A_228, %parallel_loop3A_229] {strides = array<i32>} : memref<2x8x8x128xf32, #tpu.memory_space<vmem>>, vector<16xf32>,
            tpu.vector_store %arg7[%parallel_loop3A_226, %parallel_loop3A_227, %parallel_loop3A_228, %parallel_loop3A_229], %parallel_loop3A_223 {strides = array<i32>} : memref<2x8x8x128xf32, #tpu.memory_space<vmem>>, vector<16xf32>,
            %parallel_loop3A_231 = arith.constant 512 : i32
            %parallel_loop3A_232 = vector.broadcast %parallel_loop3A_231 : i32 to vector<16xi32>
            %parallel_loop3A_233 = arith.addi %parallel_loop3A_144, %parallel_loop3A_232 : vector<16xi32>
            %parallel_loop3A_234 = tpu.vector_load_idx %arg6[%parallel_loop3A_134, %parallel_loop3A_134, %parallel_loop3A_233] : memref<8x8x128xf32, #tpu.memory_space<vmem>>[vector<16xi32>, vector<16xi32>, vector<16xi32>], vector<16xf32>,
            %parallel_loop3A_235 = arith.constant 1 : i32
            %parallel_loop3A_236 = arith.constant 4 : i32
            %parallel_loop3A_237 = arith.index_cast %parallel_loop3A_235 : i32 to index
            %parallel_loop3A_238 = arith.index_cast %parallel_loop3A_168 : i32 to index
            %parallel_loop3A_239 = arith.index_cast %parallel_loop3A_236 : i32 to index
            %parallel_loop3A_240 = arith.index_cast %parallel_loop3A_186 : i32 to index
            %parallel_loop3A_241 = tpu.vector_load %arg7[%parallel_loop3A_237, %parallel_loop3A_238, %parallel_loop3A_239, %parallel_loop3A_240] {strides = array<i32>} : memref<2x8x8x128xf32, #tpu.memory_space<vmem>>, vector<16xf32>,
            tpu.vector_store %arg7[%parallel_loop3A_237, %parallel_loop3A_238, %parallel_loop3A_239, %parallel_loop3A_240], %parallel_loop3A_234 {strides = array<i32>} : memref<2x8x8x128xf32, #tpu.memory_space<vmem>>, vector<16xf32>,
            %parallel_loop3A_242 = arith.constant 640 : i32
            %parallel_loop3A_243 = vector.broadcast %parallel_loop3A_242 : i32 to vector<16xi32>
            %parallel_loop3A_244 = arith.addi %parallel_loop3A_144, %parallel_loop3A_243 : vector<16xi32>
            %parallel_loop3A_245 = tpu.vector_load_idx %arg6[%parallel_loop3A_134, %parallel_loop3A_134, %parallel_loop3A_244] : memref<8x8x128xf32, #tpu.memory_space<vmem>>[vector<16xi32>, vector<16xi32>, vector<16xi32>], vector<16xf32>,
            %parallel_loop3A_246 = arith.constant 1 : i32
            %parallel_loop3A_247 = arith.constant 5 : i32
            %parallel_loop3A_248 = arith.index_cast %parallel_loop3A_246 : i32 to index
            %parallel_loop3A_249 = arith.index_cast %parallel_loop3A_168 : i32 to index
            %parallel_loop3A_250 = arith.index_cast %parallel_loop3A_247 : i32 to index
            %parallel_loop3A_251 = arith.index_cast %parallel_loop3A_186 : i32 to index
            %parallel_loop3A_252 = tpu.vector_load %arg7[%parallel_loop3A_248, %parallel_loop3A_249, %parallel_loop3A_250, %parallel_loop3A_251] {strides = array<i32>} : memref<2x8x8x128xf32, #tpu.memory_space<vmem>>, vector<16xf32>,
            tpu.vector_store %arg7[%parallel_loop3A_248, %parallel_loop3A_249, %parallel_loop3A_250, %parallel_loop3A_251], %parallel_loop3A_245 {strides = array<i32>} : memref<2x8x8x128xf32, #tpu.memory_space<vmem>>, vector<16xf32>,
            %parallel_loop3A_253 = arith.constant 768 : i32
            %parallel_loop3A_254 = vector.broadcast %parallel_loop3A_253 : i32 to vector<16xi32>
            %parallel_loop3A_255 = arith.addi %parallel_loop3A_144, %parallel_loop3A_254 : vector<16xi32>
            %parallel_loop3A_256 = tpu.vector_load_idx %arg6[%parallel_loop3A_134, %parallel_loop3A_134, %parallel_loop3A_255] : memref<8x8x128xf32, #tpu.memory_space<vmem>>[vector<16xi32>, vector<16xi32>, vector<16xi32>], vector<16xf32>,
            %parallel_loop3A_257 = arith.constant 1 : i32
            %parallel_loop3A_258 = arith.constant 6 : i32
            %parallel_loop3A_259 = arith.index_cast %parallel_loop3A_257 : i32 to index
            %parallel_loop3A_260 = arith.index_cast %parallel_loop3A_168 : i32 to index
            %parallel_loop3A_261 = arith.index_cast %parallel_loop3A_258 : i32 to index
            %parallel_loop3A_262 = arith.index_cast %parallel_loop3A_186 : i32 to index
            %parallel_loop3A_263 = tpu.vector_load %arg7[%parallel_loop3A_259, %parallel_loop3A_260, %parallel_loop3A_261, %parallel_loop3A_262] {strides = array<i32>} : memref<2x8x8x128xf32, #tpu.memory_space<vmem>>, vector<16xf32>,
            tpu.vector_store %arg7[%parallel_loop3A_259, %parallel_loop3A_260, %parallel_loop3A_261, %parallel_loop3A_262], %parallel_loop3A_256 {strides = array<i32>} : memref<2x8x8x128xf32, #tpu.memory_space<vmem>>, vector<16xf32>,
            %parallel_loop3A_264 = arith.constant 896 : i32
            %parallel_loop3A_265 = vector.broadcast %parallel_loop3A_264 : i32 to vector<16xi32>
            %parallel_loop3A_266 = arith.addi %parallel_loop3A_144, %parallel_loop3A_265 : vector<16xi32>
            %parallel_loop3A_267 = tpu.vector_load_idx %arg6[%parallel_loop3A_134, %parallel_loop3A_134, %parallel_loop3A_266] : memref<8x8x128xf32, #tpu.memory_space<vmem>>[vector<16xi32>, vector<16xi32>, vector<16xi32>], vector<16xf32>,
            %parallel_loop3A_268 = arith.constant 1 : i32
            %parallel_loop3A_269 = arith.constant 7 : i32
            %parallel_loop3A_270 = arith.index_cast %parallel_loop3A_268 : i32 to index
            %parallel_loop3A_271 = arith.index_cast %parallel_loop3A_168 : i32 to index
            %parallel_loop3A_272 = arith.index_cast %parallel_loop3A_269 : i32 to index
            %parallel_loop3A_273 = arith.index_cast %parallel_loop3A_186 : i32 to index
            %parallel_loop3A_274 = tpu.vector_load %arg7[%parallel_loop3A_270, %parallel_loop3A_271, %parallel_loop3A_272, %parallel_loop3A_273] {strides = array<i32>} : memref<2x8x8x128xf32, #tpu.memory_space<vmem>>, vector<16xf32>,
            tpu.vector_store %arg7[%parallel_loop3A_270, %parallel_loop3A_271, %parallel_loop3A_272, %parallel_loop3A_273], %parallel_loop3A_267 {strides = array<i32>} : memref<2x8x8x128xf32, #tpu.memory_space<vmem>>, vector<16xf32>,
          } {sc.loop_unroll_factor = 8 : i64, sc.parallel_access}
          %mul3A_104 = arith.constant 8 : i32
          %mul3A_105 = arith.muli %add3A_95, %mul3A_104 : i32
          %dma_start3A_106 = arith.constant 1 : i32
          %dma_start3A_107 = arith.constant 0 : i32
          %dma_start3A_108 = arith.constant 0 : i32
          %dma_start3A_109 = arith.constant 0 : i32
          %dma_start3A_110 = tpu.memref_slice %arg7[%dma_start3A_106, %dma_start3A_107, %dma_start3A_108, %dma_start3A_109] : memref<2x8x8x128xf32, #tpu.memory_space<vmem>> -> memref<1x8x8x128xf32, #tpu.memory_space<vmem>>
          %dma_start3A_111 = tpu.memref_squeeze %dma_start3A_110 : memref<1x8x8x128xf32, #tpu.memory_space<vmem>> -> memref<8x8x128xf32, #tpu.memory_space<vmem>>
          %dma_start3A_112 = arith.constant 0 : i32
          %dma_start3A_113 = arith.constant 0 : i32
          %dma_start3A_114 = tpu.memref_slice %arg4[%add3A_9, %mul3A_105, %dma_start3A_112, %dma_start3A_113] : memref<125x400x8x128xf32, #tpu.memory_space<hbm>> -> memref<1x8x8x128xf32, #tpu.memory_space<hbm>>
          %dma_start3A_115 = tpu.memref_squeeze %dma_start3A_114 : memref<1x8x8x128xf32, #tpu.memory_space<hbm>> -> memref<8x8x128xf32, #tpu.memory_space<hbm>>
          %dma_start3A_116 = arith.constant 0 : i32
          %dma_start3A_117 = arith.constant 0 : i32
          %dma_start3A_118 = tpu.memref_slice %arg4[%add3A_9, %mul3A_105, %dma_start3A_116, %dma_start3A_117] : memref<125x400x8x128xf32, #tpu.memory_space<hbm>> -> memref<1x8x8x128xf32, #tpu.memory_space<hbm>>
          %dma_start3A_119 = tpu.memref_squeeze %dma_start3A_118 : memref<1x8x8x128xf32, #tpu.memory_space<hbm>> -> memref<8x8x128xf32, #tpu.memory_space<hbm>>
          %dma_start3A_120 = arith.constant 0 : i32
          %dma_start3A_121 = arith.constant 0 : i32
          %dma_start3A_122 = arith.constant 0 : i32
          %dma_start3A_123 = tpu.memref_slice %arg7[%dma_start3A_106, %dma_start3A_120, %dma_start3A_121, %dma_start3A_122] : memref<2x8x8x128xf32, #tpu.memory_space<vmem>> -> memref<1x8x8x128xf32, #tpu.memory_space<vmem>>
          %dma_start3A_124 = tpu.memref_squeeze %dma_start3A_123 : memref<1x8x8x128xf32, #tpu.memory_space<vmem>> -> memref<8x8x128xf32, #tpu.memory_space<vmem>>
          tpu.enqueue_dma source(%dma_start3A_124 : memref<8x8x128xf32, #tpu.memory_space<vmem>>) target(%dma_start3A_119 : memref<8x8x128xf32, #tpu.memory_space<hbm>>) target_semaphore(%arg9 : memref<!tpu.dma_semaphore, #tpu.memory_space<semaphore_mem>>)
        }
        %scan3A_17 = arith.constant 25 : i32
        %dma_wait3A = arith.constant 0 : i32
        %dma_wait3A_18 = arith.constant 0 : i32
        %dma_wait3A_19 = arith.constant 0 : i32
        %dma_wait3A_20 = arith.constant 0 : i32
        %dma_wait3A_21 = arith.constant 0 : i32
        %dma_wait3A_22 = tpu.memref_slice %arg7[%dma_wait3A, %dma_wait3A_19, %dma_wait3A_20, %dma_wait3A_21] : memref<2x8x8x128xf32, #tpu.memory_space<vmem>> -> memref<1x8x8x128xf32, #tpu.memory_space<vmem>>
        %dma_wait3A_23 = tpu.memref_squeeze %dma_wait3A_22 : memref<1x8x8x128xf32, #tpu.memory_space<vmem>> -> memref<8x8x128xf32, #tpu.memory_space<vmem>>
        %dma_wait3A_24 = arith.constant 0 : i32
        %dma_wait3A_25 = arith.constant 0 : i32
        %dma_wait3A_26 = arith.constant 0 : i32
        %dma_wait3A_27 = tpu.memref_slice %arg4[%dma_wait3A_18, %dma_wait3A_24, %dma_wait3A_25, %dma_wait3A_26] : memref<125x400x8x128xf32, #tpu.memory_space<hbm>> -> memref<1x8x8x128xf32, #tpu.memory_space<hbm>>
        %dma_wait3A_28 = tpu.memref_squeeze %dma_wait3A_27 : memref<1x8x8x128xf32, #tpu.memory_space<hbm>> -> memref<8x8x128xf32, #tpu.memory_space<hbm>>
        %dma_wait3A_29 = arith.constant 0 : i32
        %dma_wait3A_30 = arith.constant 0 : i32
        %dma_wait3A_31 = arith.constant 0 : i32
        %dma_wait3A_32 = tpu.memref_slice %arg4[%dma_wait3A_18, %dma_wait3A_29, %dma_wait3A_30, %dma_wait3A_31] : memref<125x400x8x128xf32, #tpu.memory_space<hbm>> -> memref<1x8x8x128xf32, #tpu.memory_space<hbm>>
        %dma_wait3A_33 = tpu.memref_squeeze %dma_wait3A_32 : memref<1x8x8x128xf32, #tpu.memory_space<hbm>> -> memref<8x8x128xf32, #tpu.memory_space<hbm>>
        %dma_wait3A_34 = arith.constant 0 : i32
        %dma_wait3A_35 = arith.constant 0 : i32
        %dma_wait3A_36 = arith.constant 0 : i32
        %dma_wait3A_37 = tpu.memref_slice %arg7[%dma_wait3A, %dma_wait3A_34, %dma_wait3A_35, %dma_wait3A_36] : memref<2x8x8x128xf32, #tpu.memory_space<vmem>> -> memref<1x8x8x128xf32, #tpu.memory_space<vmem>>
        %dma_wait3A_38 = tpu.memref_squeeze %dma_wait3A_37 : memref<1x8x8x128xf32, #tpu.memory_space<vmem>> -> memref<8x8x128xf32, #tpu.memory_space<vmem>>
        tpu.wait_dma2 semaphore(%arg8 : memref<!tpu.dma_semaphore, #tpu.memory_space<semaphore_mem>>) src(%dma_wait3A_38 : memref<8x8x128xf32, #tpu.memory_space<vmem>>) dst(%dma_wait3A_33 : memref<8x8x128xf32, #tpu.memory_space<hbm>>)
        %dma_wait3A_39 = arith.constant 1 : i32
        %dma_wait3A_40 = arith.constant 0 : i32
        %dma_wait3A_41 = arith.constant 0 : i32
        %dma_wait3A_42 = arith.constant 0 : i32
        %dma_wait3A_43 = arith.constant 0 : i32
        %dma_wait3A_44 = tpu.memref_slice %arg7[%dma_wait3A_39, %dma_wait3A_41, %dma_wait3A_42, %dma_wait3A_43] : memref<2x8x8x128xf32, #tpu.memory_space<vmem>> -> memref<1x8x8x128xf32, #tpu.memory_space<vmem>>
        %dma_wait3A_45 = tpu.memref_squeeze %dma_wait3A_44 : memref<1x8x8x128xf32, #tpu.memory_space<vmem>> -> memref<8x8x128xf32, #tpu.memory_space<vmem>>
        %dma_wait3A_46 = arith.constant 0 : i32
        %dma_wait3A_47 = arith.constant 0 : i32
        %dma_wait3A_48 = arith.constant 0 : i32
        %dma_wait3A_49 = tpu.memref_slice %arg4[%dma_wait3A_40, %dma_wait3A_46, %dma_wait3A_47, %dma_wait3A_48] : memref<125x400x8x128xf32, #tpu.memory_space<hbm>> -> memref<1x8x8x128xf32, #tpu.memory_space<hbm>>
        %dma_wait3A_50 = tpu.memref_squeeze %dma_wait3A_49 : memref<1x8x8x128xf32, #tpu.memory_space<hbm>> -> memref<8x8x128xf32, #tpu.memory_space<hbm>>
        %dma_wait3A_51 = arith.constant 0 : i32
        %dma_wait3A_52 = arith.constant 0 : i32
        %dma_wait3A_53 = arith.constant 0 : i32
        %dma_wait3A_54 = tpu.memref_slice %arg4[%dma_wait3A_40, %dma_wait3A_51, %dma_wait3A_52, %dma_wait3A_53] : memref<125x400x8x128xf32, #tpu.memory_space<hbm>> -> memref<1x8x8x128xf32, #tpu.memory_space<hbm>>
        %dma_wait3A_55 = tpu.memref_squeeze %dma_wait3A_54 : memref<1x8x8x128xf32, #tpu.memory_space<hbm>> -> memref<8x8x128xf32, #tpu.memory_space<hbm>>
        %dma_wait3A_56 = arith.constant 0 : i32
        %dma_wait3A_57 = arith.constant 0 : i32
        %dma_wait3A_58 = arith.constant 0 : i32
        %dma_wait3A_59 = tpu.memref_slice %arg7[%dma_wait3A_39, %dma_wait3A_56, %dma_wait3A_57, %dma_wait3A_58] : memref<2x8x8x128xf32, #tpu.memory_space<vmem>> -> memref<1x8x8x128xf32, #tpu.memory_space<vmem>>
        %dma_wait3A_60 = tpu.memref_squeeze %dma_wait3A_59 : memref<1x8x8x128xf32, #tpu.memory_space<vmem>> -> memref<8x8x128xf32, #tpu.memory_space<vmem>>
        tpu.wait_dma2 semaphore(%arg9 : memref<!tpu.dma_semaphore, #tpu.memory_space<semaphore_mem>>) src(%dma_wait3A_60 : memref<8x8x128xf32, #tpu.memory_space<vmem>>) dst(%dma_wait3A_55 : memref<8x8x128xf32, #tpu.memory_space<hbm>>)
      } else {
      }
    }
    %scan3A_5 = arith.constant 4 : i32
    return
  }
}

module attributes {stable_mosaic.version = 14 : i64} {
  func.func @_lse_body(%arg0: memref<1000x1000xf32, #tpu.memory_space<vmem>>, %arg1: memref<1000xf32, #tpu.memory_space<vmem>>) attributes {dimension_semantics = [], scalar_prefetch = 0 : i64, scratch_operands = 0 : i64, tpu.core_type = #tpu.core_type<tc>} {
    %get3A = arith.constant 0 : index
    %get3A_0 = arith.constant 0 : index
    %get3A_1 = vector.load %arg0[%get3A, %get3A_0] : memref<1000x1000xf32, #tpu.memory_space<vmem>>, vector<1000x1000xf32>
    %reduce_max3A = arith.constant dense<0xFF800000> : vector<1000xf32>
    %reduce_max3A_2 = vector.multi_reduction <maximumf>, %get3A_1, %reduce_max3A [1] : vector<1000x1000xf32> to vector<1000xf32>
    %broadcast_in_dim3A = vector.shape_cast %reduce_max3A_2 : vector<1000xf32> to vector<1000x1xf32>
    %sub3A = vector.broadcast %broadcast_in_dim3A : vector<1000x1xf32> to vector<1000x1000xf32>
    %sub3A_3 = arith.subf %get3A_1, %sub3A : vector<1000x1000xf32>
    %exp3A = math.exp %sub3A_3 : vector<1000x1000xf32>
    %reduce_sum3A = arith.constant dense<0.000000e+00> : vector<1000xf32>
    %reduce_sum3A_4 = vector.multi_reduction <add>, %exp3A, %reduce_sum3A [1] : vector<1000x1000xf32> to vector<1000xf32>
    %log3A = math.log %reduce_sum3A_4 : vector<1000xf32>
    %add3A = arith.addf %reduce_max3A_2, %log3A : vector<1000xf32>
    %swap3A = arith.constant 0 : index
    %swap3A_5 = vector.load %arg1[%swap3A] : memref<1000xf32, #tpu.memory_space<vmem>>, vector<1000xf32>
    tpu.vector_store %arg1[%swap3A], %add3A {strides = array<i32>} : memref<1000xf32, #tpu.memory_space<vmem>>, vector<1000xf32>,
    return
  }
}

module attributes {stable_mosaic.version = 14 : i64} {
  func.func @_loss_body(%arg0: memref<32x16xf32, #tpu.memory_space<vmem>>, %arg1: memref<1x1xf32, #tpu.memory_space<vmem>>) attributes {dimension_semantics = [], scalar_prefetch = 0 : i64, scratch_operands = 0 : i64, tpu.core_type = #tpu.core_type<tc>} {
    %get3A = arith.constant 0 : index
    %get3A_0 = arith.constant 0 : index
    %get3A_1 = vector.load %arg0[%get3A, %get3A_0] : memref<32x16xf32, #tpu.memory_space<vmem>>, vector<32x16xf32>
    %reduce_sum3A = vector.shape_cast %get3A_1 : vector<32x16xf32> to vector<1x32x16xf32>
    %reduce_sum3A_2 = arith.constant dense<0.000000e+00> : vector<1xf32>
    %reduce_sum3A_3 = vector.multi_reduction <add>, %reduce_sum3A, %reduce_sum3A_2 [1, 2] : vector<1x32x16xf32> to vector<1xf32>
    %reduce_sum3A_4 = vector.shape_cast %reduce_sum3A_3 : vector<1xf32> to vector<1x1x1xf32>
    %reduce_sum3A_5 = vector.extract %reduce_sum3A_4[0, 0, 0] : f32 from vector<1x1x1xf32>
    %broadcast_in_dim3A = vector.broadcast %reduce_sum3A_5 : f32 to vector<1x1xf32>
    %mul3A = arith.constant 1.95312496E-5 : f32
    %mul3A_6 = vector.broadcast %mul3A : f32 to vector<1x1xf32>
    %mul3A_7 = arith.mulf %broadcast_in_dim3A, %mul3A_6 : vector<1x1xf32>
    %swap3A = arith.constant 0 : index
    %swap3A_8 = arith.constant 0 : index
    %swap3A_9 = vector.load %arg1[%swap3A, %swap3A_8] : memref<1x1xf32, #tpu.memory_space<vmem>>, vector<1x1xf32>
    tpu.vector_store %arg1[%swap3A, %swap3A_8], %mul3A_7 {strides = array<i32>} : memref<1x1xf32, #tpu.memory_space<vmem>>, vector<1x1xf32>,
    return
  }
}

</mosaic_0001>

<sc_bundles>
// kernel: kernel.6.cloned.1.call-start
scs
__scs_entry_jumppad:
0x0: {  	(pc) =	sbr.rel $0x88, $3  }
0x1: {  	(tag) =	ssettag $0x0;
	lr =	simm.s32 $0x1  }
0x2: {  	[smem:$0x3F9E] =	sst lr;
	_ =	strace $0xD0000000  }
0x3: {  	_ = 	snop  }
0x4: {  	_ = 	snop  }
0x5: {  	_ = 	snop  }
0x6: {  	_ = 	snop  }
0x7: {  	_ = 	snop  }
__scs_overlays_trampoline_lowered:
0x8: {  	[smem:$0x3FAD] =	sst s0  }
0x9: {  	[smem:$0x3FAE] =	sst s1  }
0xa: {  	[smem:$0x3FAF] =	sst s2  }
0xb: {  	[smem:$0x3FB0] =	sst s3  }
0xc: {  	[smem:$0x3FB1] =	sst s4  }
0xd: {  	[smem:$0x3FB2] =	sst s5  }
0xe: {  	[smem:$0x3FB3] =	sst s6  }
0xf: {  	[smem:$0x3FB4] =	sst s7  }
0x10: {  	[smem:$0x3FB5] =	sst s8  }
0x11: {  	[smem:$0x3FB6] =	sst s9;
	s0 =	simm.s32 @!p0 $0x0  }
0x12: {  	s1 =	sld [smem:$0x3F9C];
	s0 =	simm.s32 @p0 $0x1  }
0x13: {  	[smem:$0x3FB7] =	sst s0;
	s0 =	simm.s32 @!p1 $0x0  }
0x14: {  	s2 =	sld [smem:$0x3F9B];
	s0 =	simm.s32 @p1 $0x1  }
0x15: {  	[smem:$0x3FB8] =	sst s0;
	s0 =	simm.s32 @!p2 $0x0  }
0x16: {  	s3 =	sld [smem:$0x3FDB];
	s0 =	simm.s32 @p2 $0x1  }
0x17: {  	s4 =	simm.s32 $0x1BF5;
	[smem:$0x3FBA] =	sst s0  }
0x18: {  	s0 =	sld [smem:$0x3F9D];
	_ =	swait.ge [sflag:s4], $0x0  }
0x19: {  	s7 =	sld [smem:$0x3F9E]  }
0x1a: {  	s8 =	sadd.s32 $0xFFFFE003, lr  }
0x1b: {  	s9 =	sadd.s32 $0xFFFFFEF7, lr;
	s5 =	simm.s32 $0xFFFFFFFF;
	p2 =	slt.u32 s8, $0xFFFFF086  }
0x1c: {  	p1 =	slt.u32 s9, $0xF7A;
	s5 =	simm.s32 @!p2 $0x0  }
0x1d: {  	s5 =	simm.s32 @p1 $0x1;
	p0 =	seq.s32 s7, s2  }
0x1e: {  	s7 =	smul.u32 @!p0 $0xF7A, s2;
	p2 =	seq.s32 @!p0 s5, $0x0  }
0x1f: {  	s9 =	smul.u32 $0xF7A, s1;
	s8 =	simm.s32 @!p0 $0x1BF5;
	p2 =	por !p2, p0  }
0x20: {  	[sflag:s8] =	ssyncset.s32 @!p0 $0xFFFFF086;
	s6 =	sadd.s32 @!p0 s3, s7;
	s7 =	simm.s32 @!p0 $0x108  }
0x21: {  	s3 =	sadd.s32 s3, s9;
	s6 =	sadd.s32 @!p0 $0x88, s6;
	s7 =	simm.s32 @p2 $0x1082  }
0x22: {  	[simem:s7], [sflag:s8] =	dma.local @!p0 [hbm:s6], $0xF7A  }
0x23: {  	s9 =	sor.u32 $0xD0000000, s2;
	s6 =	simm.s32 $0x108;
	_ =	swait.ge @!p0 [sflag:s8], $0x0  }
0x24: {  	s3 =	sadd.s32 $0x88, s3;
	s6 =	simm.s32 @!p1 $0x1082;
	[sflag:s4] =	ssyncset.s32 $0xFFFFF086  }
0x25: {  	[simem:s6], [sflag:s4] =	dma.local [hbm:s3], $0xF7A  }
0x26: {  	[smem:$0x3F9E] =	sst s1;
	(tag) =	ssettag s2;
	_ =	strace s9  }
0x27: {  	s1 =	sld [smem:$0x3FAE]  }
0x28: {  	s2 =	sld [smem:$0x3FAF]  }
0x29: {  	s4 =	sld [smem:$0x3FB1]  }
0x2a: {  	p0 =	seq.s32 s5, $0x0;
	s5 =	sld [smem:$0x3FB2]  }
0x2b: {  	s6 =	sld [smem:$0x3FB3]  }
0x2c: {  	s7 =	sld [smem:$0x3FB4]  }
0x2d: {  	s3 =	simm.s32 $0x108;
	s8 =	sld [smem:$0x3FB5]  }
0x2e: {  	s3 =	simm.s32 @!p0 $0x1082;
	s9 =	sld [smem:$0x3FB6]  }
0x2f: {  	lr =	sadd.s32 s0, s3;
	s0 =	sld [smem:$0x3FAD]  }
0x30: {  	s3 =	sld [smem:$0x3FB0]  }
0x31: {  	[smem:$0x3FB9] =	sst s10  }
0x32: {  	s10 =	sld [smem:$0x3FB7];
	_ =	sdelay $0x3  }
0x33: {  	p0 =	seq.s32 s10, $0x1;
	s10 =	sld [smem:$0x3FB9];
	_ =	sdelay $0x3  }
0x34: {  	[smem:$0x3FB9] =	sst s10  }
0x35: {  	s10 =	sld [smem:$0x3FB8];
	_ =	sdelay $0x3  }
0x36: {  	p1 =	seq.s32 s10, $0x1;
	s10 =	sld [smem:$0x3FB9];
	_ =	sdelay $0x3  }
0x37: {  	[smem:$0x3FB9] =	sst s10  }
0x38: {  	s10 =	sld [smem:$0x3FBA]  }
0x39: {  	_ = 	snop;
	(pc) =	sbr.ind lr, $3  }
0x3a: {  	_ = 	snop  }
0x3b: {  	_ = 	snop  }
0x3c: {  	p2 =	seq.s32 s10, $0x1;
	s10 =	sld [smem:$0x3FB9]  }
0x3d: {  	_ =	shalt  }
0x3e: {  	_ =	shalt  }
0x3f: {  	_ =	shalt  }
0x40: {  	_ =	shalt  }
0x41: {  	_ =	shalt  }
0x42: {  	_ =	shalt  }
0x43: {  	_ =	shalt  }
0x44: {  	_ =	shalt  }
0x45: {  	_ =	shalt  }
0x46: {  	_ =	shalt  }
0x47: {  	_ =	shalt  }
0x48: {  	_ =	shalt  }
0x49: {  	_ =	shalt  }
0x4a: {  	_ =	shalt  }
0x4b: {  	_ =	shalt  }
0x4c: {  	_ =	shalt  }
0x4d: {  	_ =	shalt  }
0x4e: {  	_ =	shalt  }
0x4f: {  	_ =	shalt  }
0x50: {  	_ =	shalt  }
0x51: {  	_ =	shalt  }
0x52: {  	_ =	shalt  }
0x53: {  	_ =	shalt  }
0x54: {  	_ =	shalt  }
0x55: {  	_ =	shalt  }
0x56: {  	_ =	shalt  }
0x57: {  	_ =	shalt  }
0x58: {  	_ =	shalt  }
0x59: {  	_ =	shalt  }
0x5a: {  	_ =	shalt  }
0x5b: {  	_ =	shalt  }
0x5c: {  	_ =	shalt  }
0x5d: {  	_ =	shalt  }
0x5e: {  	_ =	shalt  }
0x5f: {  	_ =	shalt  }
0x60: {  	_ =	shalt  }
0x61: {  	_ =	shalt  }
0x62: {  	_ =	shalt  }
0x63: {  	_ =	shalt  }
0x64: {  	_ =	shalt  }
0x65: {  	_ =	shalt  }
0x66: {  	_ =	shalt  }
0x67: {  	_ =	shalt  }
0x68: {  	_ =	shalt  }
0x69: {  	_ =	shalt  }
0x6a: {  	_ =	shalt  }
0x6b: {  	_ =	shalt  }
0x6c: {  	_ =	shalt  }
0x6d: {  	_ =	shalt  }
0x6e: {  	_ =	shalt  }
0x6f: {  	_ =	shalt  }
0x70: {  	_ =	shalt  }
0x71: {  	_ =	shalt  }
0x72: {  	_ =	shalt  }
0x73: {  	_ =	shalt  }
0x74: {  	_ =	shalt  }
0x75: {  	_ =	shalt  }
0x76: {  	_ =	shalt  }
0x77: {  	_ =	shalt  }
0x78: {  	_ =	shalt  }
0x79: {  	_ =	shalt  }
0x7a: {  	_ =	shalt  }
0x7b: {  	_ =	shalt  }
0x7c: {  	_ =	shalt  }
0x7d: {  	_ =	shalt  }
0x7e: {  	_ =	shalt  }
0x7f: {  	_ =	shalt  }
0x80: {  	_ =	shalt  }
0x81: {  	_ =	shalt  }
0x82: {  	_ =	shalt  }
0x83: {  	_ =	shalt  }
0x84: {  	_ =	shalt  }
0x85: {  	_ =	shalt  }
0x86: {  	_ =	shalt  }
0x87: {  	_ =	shalt  }
.Lfunc_end0:
.L_simem_size_0:
called_computation_lowered:
.L_overlay_start_0:
0x88: {  	s2 =	sld [smem:$0x3FD9]  }
0x89: {  	s3 =	sld [smem:$0x3FFE];
	_ =	sdelay $0x1  }
0x8a: {  	s1 =	srdreg.scid  }
0x8b: {  	s0 =	sand.u32 $0x1, s1  }
0x8c: {  	s15 =	sshll.u32 s0, $0xA;
	s2 =	sadd.s32 s3, s2  }
0x8d: {  	s2 =	sadd.s32 s2, s15  }
0x8e: {  	[smem:$0x3FC5] =	sst s2  }
0x8f: {  	_ = 	snop  }
0x90: {  	s2 =	sld [smem:$0x3FD0];
	_ =	sdelay $0x2  }
0x91: {  	s16 =	simm.s32 $0xB;
	s4 =	simm.s32 $0x10  }
0x92: {  	[smem:s4], [sflag:s16] =	dma.local [hbm:s2], $0x1  }
0x93: {  	_ =	swait.eq [sflag:s16], $0x1  }
0x94: {  	[sflag:s16] =	ssyncset.done $0x0  }
0x95: {  	[sflag:s16] =	ssyncadd.s32 $0xFFFFFFFF  }
0x96: {  	s17 =	sld [smem:$0x10];
	(tm) =	ssettm $0x1  }
0x97: {  	s18 =	sld [smem:$0x3FFB];
	_ =	sdelay $0x3  }
0x98: {  	_ =	strace s18  }
0x99: {  	s2 =	sld [smem:$0x3FFC];
	_ =	sdelay $0x3  }
0x9a: {  	_ =	strace s2  }
0x9b: {  	s2 =	sld [smem:$0x3FFD];
	_ =	sdelay $0x3  }
0x9c: {  	_ =	strace s2  }
0x9d: {  	_ =	strace $0x8FFFFFFF  }
0x9e: {  	s19 =	sld [smem:$0x3FDB];
	_ =	sdelay $0x1  }
0x9f: {  	s20 =	simm.s32 $_scs_section_size  }
0xa0: {  	s5 =	simm.s32 $_size__tile_overlayer_lowered;
	s6 =	simm.s32 $_tile_overlayer_lowered  }
0xa1: {  	s7 =	simm.s32 $0x1BFF;
	s21 =	sshll.u32 s6, $0x1;
	s4 =	sadd.s32 s20, s19  }
0xa2: {  	s22 =	simm.s32 $0x0;
	s5 =	sshll.u32 s5, $0x1;
	s6 =	sadd.s32 s21, s4  }
0xa3: {  	[timem:s22], [sflag:s7] =	dma.local [hbm:s6], s5  }
0xa4: {  	_ =	swait.ge [sflag:s7], s5  }
0xa5: {  	s5 =	ssub.s32 $0x0, s5;
	[sflag:s7] =	ssyncset.done $0x0  }
0xa6: {  	[sflag:s7] =	ssyncadd.s32 s5;
	_ =	sdelay $0x1  }
0xa7: {  	s23 =	simm.s32 $0x1B8B  }
0xa8: {  	_ =	swait.ge [sflag:s23], $0x1  }
0xa9: {  	[sflag:s23] =	ssyncset.done $0x0  }
0xaa: {  	[sflag:s23] =	ssyncadd.s32 $0xFFFFFFFF  }
0xab: {  	s5 =	sld [smem:$0x0]  }
0xac: {  	s6 =	sand.u32 $0xFFFFFFFE, s1  }
0xad: {  	p0 =	sne.s32 s1, s6  }
0xae: {  	s6 =	sshll.u32 @p0 s6, $0xE  }
0xaf: {  	s6 =	sadd.s32 @p0 $0x11B8D, s6;
	s7 =	sshll.u32 @p0 s5, $0x11  }
0xb0: {  	s6 =	sor.u32 @p0 s7, s6  }
0xb1: {  	[sflag:s6] =	ssyncadd.remote.s32 @p0 $0x1;
	_ =	sdelay $0x1  }
0xb2: {  	s6 =	simm.s32 @p0 $0x1B8D  }
0xb3: {  	_ =	swait.eq @p0 [sflag:s6], $0x1  }
0xb4: {  	[sflag:s6] =	ssyncadd.s32 @p0 $0xFFFFFFFF  }
0xb5: {  	s7 =	sshll.u32 @!p0 s1, $0xE  }
0xb6: {  	s7 =	sor.u32 @!p0 $0x4000, s7;
	s6 =	simm.s32 @!p0 $0x1B8D  }
0xb7: {  	s5 =	sshll.u32 @!p0 s5, $0x11;
	s7 =	sadd.s32 @!p0 $0x11B8D, s7;
	_ =	swait.eq @!p0 [sflag:s6], $0x1  }
0xb8: {  	s5 =	sor.u32 @!p0 s5, s7;
	[sflag:s6] =	ssyncadd.s32 @!p0 $0xFFFFFFFF  }
0xb9: {  	s25 =	simm.s32 $0x1B8E;
	s24 =	sld [smem:$0x3FFE];
	[sflag:s5] =	ssyncadd.remote.s32 @!p0 $0x1  }
0xba: {  	s26 =	simm.s32 $execute0_lowered;
	[smem:$0x3FD2] =	sst s25  }
0xbb: {  	s6 =	sshll.u32 s26, $0x1;
	_ =	strace $0x80000049;
	[dreg:$0x1] =	wrdreg $0xFFFFFFFF  }
0xbc: {  	s28 =	simm.s32 $_size_execute0_lowered;
	s4 =	sadd.s32 s4, s6;
	[dreg:$0x0] =	wrdreg $0x0  }
0xbd: {  	s6 =	sshll.u32 s28, $0x1;
	[dreg:$0x2] =	wrdreg s4  }
0xbe: {  	[dreg:$0x3] =	wrdreg s6  }
0xbf: {  	[dreg:$0x4] =	wrdreg $0xC0  }
0xc0: {  	_ =	task [dreg:s22], $0x5FFFF  }
0xc1: {  	[dreg:$0x1] =	wrdreg $0xFFFFFFFF  }
0xc2: {  	[dreg:$0x0] =	wrdreg $0x60  }
0xc3: {  	[dreg:$0x2] =	wrdreg s24  }
0xc4: {  	[dreg:$0x3] =	wrdreg s17  }
0xc5: {  	[dreg:$0x4] =	wrdreg $0x9  }
0xc6: {  	_ =	task.clear_ibuf [dreg:s22], $0x5FFFF;
	_ =	strace $0x90000049  }
0xc7: {  	s29 =	simm.s32 $0x9;
	_ =	strace $0x8000004B  }
0xc8: {  	_ =	swait.ge [sflag:s29], $0x1  }
0xc9: {  	[sflag:s29] =	ssyncadd.s32 $0xFFFFFFFF  }
0xca: {  	_ =	strace $0x9000004B  }
0xcb: {  	_ =	sfence  }
0xcc: {  	s30 =	sld [smem:$0x0];
	_ =	sdelay $0x2  }
0xcd: {  	s31 =	sshll.u32 s1, $0xD;
	s1 =	sshrl.u32 s1, $0x2  }
0xce: {  	s4 =	sand.u32 $0x4000, s31;
	s1 =	sadd.s32 s1, s30  }
0xcf: {  	s0 =	sor.u32 s4, s0;
	s1 =	sshll.u32 s1, $0x11  }
0xd0: {  	s0 =	sor.u32 s1, s0  }
0xd1: {  	s0 =	sadd.s32 $0x8F2B, s0  }
0xd2: {  	[sflag:s0] =	ssyncadd.remote.s32 $0x1  }
0xd3: {  	_ =	sfence.sel $0xFFFF  }
0xd4: {  	[dreg:$0x0] =	wrdreg $0xFFFFFFFF;
	(pc) =	sbr.abs _section_cstart, $3  }
0xd5: {  	[dreg:$0x1] =	wrdreg $0xFFFFFFFF  }
0xd6: {  	_ =	task.clear_ibuf [dreg:s22], $0x2FFFF;
	_ =	strace $0x9FFFFFFF  }
0xd7: {  	(tm) =	ssettm $0x7FFFFFFF  }
tec
execute0_lowered:
.L_overlay_start_1:
0x0: {  	(tag) =	ssettag $0x1  }
0x1: {  	s4 =	rddreg [dreg:$0x0]  }
0x2: {  	s1 =	rddreg [dreg:$0x1];
	s3 =	srdreg.scid  }
0x3: {  	s0 =	rddreg [dreg:$0x2];
	s2 =	simm.s32 $0x0;
	s9 =	simm.s32 $0x3  }
0x4: {  	s10 =	simm.s32 $0xC800;
	s11 =	simm.s32 $0xE800;
	s12 =	simm.s32 $0x10800  }
.Ltmp0:
0x5: {  	s13 =	simm.s32 $0x1;
	s3 =	sand.u32 $0x1, s3;
	(pc) =	sbr.rel .LBB2_1-.Ltmp0, $4  }
0x6: {  	s14 =	simm.s32 $0x2;
	s15 =	simm.s32 $0x0;
	s7 =	ssub.s32 $0x2, s3  }
0x7: {  	[smem:$0x7FF] =	sst s2;
	s5 =	sadd.s32 $0x23000, s4;
	s8 =	sshrl.u32 s7, $0x1  }
0x8: {  	s6 =	sadd.s32 $0x1F800, s4;
	s4 =	stileid.u32;
	s8 =	ssub.s32 s7, s8  }
0x9: {  	_ =	strace $0x8000004A;
	s7 =	sshll.u32 s4, $0x1;
	s8 =	smax.u32 s8, $0x1  }
.LBB2_11:
0xa: {  	s15 =	sadd.s32 $0x1, s15  }
0xb: {  	p0 =	sne.s32 s15, s8  }
.Ltmp1:
0xc: {  	_ = 	snop;
	(pc) =	sbr.rel @!p0 .LBB2_12-.Ltmp1, $1  }
0xd: {  	_ =	sdelay $0x3  }
.LBB2_1:
.Ltmp2:
0xe: {  	(pc) =	sbr.rel .LBB2_2-.Ltmp2, $4  }
0xf: {  	[tilespmem:s2], [sflag:$0x3] =	stream.linear.gather [hbm4b:s6+s2], $0xC800, $0x38;
	[tilespmem:$0x12800] =	vst v63  }
0x10: {  	_ =	swait.ge [sflag:s9], $0xC800  }
0x11: {  	[sflag:s9] =	ssyncset.done $0x0  }
0x12: {  	s16 =	simm.s32 $0x0;
	[sflag:s9] =	ssyncadd.s32 $0xFFFF3800  }
.LBB2_10:
0x13: {  	s16 =	sadd.s32 $0x1, s16  }
0x14: {  	p0 =	sne.s32 s16, $0x4  }
.Ltmp3:
0x15: {  	_ = 	snop;
	(pc) =	sbr.rel @!p0 .LBB2_11-.Ltmp3, $1  }
0x16: {  	_ =	sdelay $0x3  }
.LBB2_2:
0x17: {  	s17 =	sshll.u32 s16, $0x5  }
0x18: {  	s17 =	sor.u32 s17, s7  }
0x19: {  	s18 =	sor.u32 s3, s17  }
0x1a: {  	p0 =	sgt.u32 s18, $0x7C  }
.Ltmp4:
0x1b: {  	_ = 	snop;
	(pc) =	sbr.rel @p0 .LBB2_10-.Ltmp4, $1  }
0x1c: {  	_ =	sdelay $0x3  }
0x1d: {  	s17 =	sshll.u32 s18, $0xA  }
0x1e: {  	s19 =	sadd.s32 s5, s17;
	s17 =	simm.s32 $0x0  }
0x1f: {  	[tilespmem:s10], [sflag:$0x3] =	stream.linear.gather [hbm4b:s19+s17], $0x2000, $0x38;
	[tilespmem:$0x12800] =	vst v63  }
0x20: {  	_ =	swait.ge [sflag:s9], $0x2000  }
0x21: {  	s18 =	smul.u32 $0x64000, s18;
	[sflag:s9] =	ssyncset.done $0x0  }
0x22: {  	s20 =	simm.s32 $0x470;
	s19 =	simm.s32 $0x40;
	[sflag:s9] =	ssyncadd.s32 $0xFFFFE000  }
.LBB2_4:
0x23: {  	p0 =	seq.s32 s17, $0x0  }
0x24: {  	s21 =	simm.s32 @!p0 $0x1  }
0x25: {  	_ =	swait.ge @!p0 [sflag:s21], $0x2000  }
0x26: {  	[sflag:s21] =	ssyncset.done @!p0 $0x0  }
0x27: {  	[sflag:s21] =	ssyncadd.s32 @!p0 $0xFFFFE000  }
0x28: {  	v0 =	vld [tilespmem:s19+$0x20]  }
0x29: {  	v1 =	vld [tilespmem:s19+$0xFFFFFFD0]  }
0x2a: {  	v2 =	vld [tilespmem:s19+$0x30]  }
0x2b: {  	v3 =	vld [tilespmem:s19+$0x10];
	_ =	sdelay $0x1  }
0x2c: {  	v6 =	vld [tilespmem:s19+$0xFFFFFFC0];
	v4 =	vshll.u32 v0, $0x3  }
0x2d: {  	v0 =	vand.u32 $0x7F, v0;
	v5 =	vshll.u32 v1, $0x3;
	v4 =	vand.u32 $0xFFFFFC00, v4  }
0x2e: {  	v8 =	vld [tilespmem:s19+$0xFFFFFFE0];
	v7 =	vor.u32 v0, v4;
	v4 =	vand.u32 $0xFFFFFC00, v5;
	v0 =	vshll.u32 v2, $0x3  }
0x2f: {  	v5 =	vshll.u32 v3, $0x3;
	v2 =	vand.u32 $0x7F, v2;
	v0 =	vand.u32 $0xFFFFFC00, v0  }
0x30: {  	v9 =	vld [tilespmem:s19+$0xFFFFFFF0];
	v3 =	vand.u32 $0x7F, v3;
	v5 =	vand.u32 $0xFFFFFC00, v5;
	v0 =	vor.u32 v2, v0  }
0x31: {  	v10 =	vld [tilespmem:s19+$0x0];
	v1 =	vand.u32 $0x7F, v1;
	v5 =	vor.u32 v3, v5;
	v2 =	vshll.u32 v6, $0x3  }
0x32: {  	v1 =	vor.u32 v1, v4;
	v3 =	vand.u32 $0x7F, v6;
	v2 =	vand.u32 $0xFFFFFC00, v2  }
0x33: {  	v4 =	vor.u32 v3, v2;
	v2 =	vshll.u32 v8, $0x3;
	v6 =	vld.idx.msk [tilespmem:v7+s10+$0x0], $0xffff  }
0x34: {  	v11 =	vor.u32 $0x80, v7;
	v3 =	vand.u32 $0x7F, v8;
	v2 =	vand.u32 $0xFFFFFC00, v2  }
0x35: {  	v2 =	vor.u32 v3, v2;
	v8 =	vld.idx.msk [tilespmem:v0+s10+$0x0], $0xffff  }
0x36: {  	v16 =	vshll.u32 v10, $0x3;
	v14 =	vor.u32 $0x80, v0;
	v3 =	vshll.u32 v9, $0x3;
	v12 =	vld.idx.msk [tilespmem:v5+s10+$0x0], $0xffff  }
0x37: {  	s21 =	simm.s32 $0xEA00;
	v13 =	vor.u32 $0x80, v5;
	v15 =	vld.idx.msk [tilespmem:v1+s10+$0x0], $0xffff;
	v9 =	vand.u32 $0x7F, v9;
	v3 =	vand.u32 $0xFFFFFC00, v3  }
0x38: {  	v3 =	vor.u32 v9, v3;
	v9 =	vand.u32 $0x7F, v10;
	v17 =	vld.idx.msk [tilespmem:v4+s10+$0x0], $0xffff;
	[tilespmem:s21+$0xFFFFFE60] =	vst v6;
	v6 =	vand.u32 $0xFFFFFC00, v16  }
0x39: {  	v10 =	vld.idx.msk [tilespmem:v11+s10+$0x0], $0xffff;
	v6 =	vor.u32 v9, v6  }
0x3a: {  	v11 =	vor.u32 $0x80, v4;
	[tilespmem:s21+$0xFFFFFE70] =	vst v8;
	v8 =	vld.idx.msk [tilespmem:v2+s10+$0x0], $0xffff  }
0x3b: {  	v9 =	vor.u32 $0x100, v7;
	[tilespmem:s21+$0xFFFFFE50] =	vst v12;
	v12 =	vld.idx.msk [tilespmem:v14+s10+$0x0], $0xffff  }
0x3c: {  	v14 =	vor.u32 $0x80, v1;
	v13 =	vld.idx.msk [tilespmem:v13+s10+$0x0], $0xffff  }
0x3d: {  	v19 =	vor.u32 $0x80, v2;
	[tilespmem:s21+$0xFFFFFE10] =	vst v15;
	v16 =	vld.idx.msk [tilespmem:v3+s10+$0x0], $0xffff  }
0x3e: {  	v18 =	vor.u32 $0x100, v0;
	[tilespmem:s21+$0xFFFFFE00] =	vst v17;
	v20 =	vld.idx.msk [tilespmem:v6+s10+$0x0], $0xffff  }
0x3f: {  	[tilespmem:s21+$0xFFFFFEE0] =	vst v10;
	v10 =	vor.u32 $0x80, v3;
	v11 =	vld.idx.msk [tilespmem:v11+s10+$0x0], $0xffff  }
0x40: {  	v15 =	vor.u32 $0x80, v6;
	v9 =	vld.idx.msk [tilespmem:v9+s10+$0x0], $0xffff;
	[tilespmem:s21+$0xFFFFFE20] =	vst v8  }
0x41: {  	v8 =	vor.u32 $0x100, v4;
	v14 =	vld.idx.msk [tilespmem:v14+s10+$0x0], $0xffff;
	[tilespmem:s21+$0xFFFFFEF0] =	vst v12  }
0x42: {  	v17 =	vor.u32 $0x180, v7;
	v19 =	vld.idx.msk [tilespmem:v19+s10+$0x0], $0xffff;
	[tilespmem:s21+$0xFFFFFE30] =	vst v16  }
0x43: {  	v16 =	vor.u32 $0x100, v5;
	[tilespmem:s21+$0xFFFFFED0] =	vst v13;
	v12 =	vld.idx.msk [tilespmem:v18+s10+$0x0], $0xffff  }
0x44: {  	v18 =	vor.u32 $0x100, v1;
	v10 =	vld.idx.msk [tilespmem:v10+s10+$0x0], $0xffff;
	[tilespmem:s21+$0xFFFFFE40] =	vst v20  }
0x45: {  	v60 =	vor.u32 $0x100, v2;
	[tilespmem:s21+$0xFFFFFE80] =	vst v11;
	v15 =	vld.idx.msk [tilespmem:v15+s10+$0x0], $0xffff  }
0x46: {  	v11 =	vor.u32 $0x180, v0;
	[tilespmem:s21+$0xFFFFFF60] =	vst v9;
	v8 =	vld.idx.msk [tilespmem:v8+s10+$0x0], $0xffff  }
0x47: {  	v9 =	vld.idx.msk [tilespmem:v17+s10+$0x0], $0xffff;
	[tilespmem:s21+$0xFFFFFE90] =	vst v14;
	v14 =	vor.u32 $0x100, v6  }
0x48: {  	v17 =	vor.u32 $0x200, v7;
	v16 =	vld.idx.msk [tilespmem:v16+s10+$0x0], $0xffff  }
0x49: {  	[tilespmem:s21+$0xFFFFFEA0] =	vst v19;
	v13 =	vld.idx.msk [tilespmem:v18+s10+$0x0], $0xffff;
	v18 =	vor.u32 $0x100, v3  }
0x4a: {  	v19 =	vor.u32 $0x180, v4;
	v20 =	vld.idx.msk [tilespmem:v60+s10+$0x0], $0xffff;
	[tilespmem:s21+$0xFFFFFF70] =	vst v12  }
0x4b: {  	v12 =	vor.u32 $0x180, v5;
	v11 =	vld.idx.msk [tilespmem:v11+s10+$0x0], $0xffff;
	[tilespmem:s21+$0xFFFFFEC0] =	vst v15  }
0x4c: {  	v15 =	vor.u32 $0x180, v2;
	v14 =	vld.idx.msk [tilespmem:v14+s10+$0x0], $0xffff;
	[tilespmem:s21+$0xFFFFFFE0] =	vst v9  }
0x4d: {  	[tilespmem:s21+$0xFFFFFEB0] =	vst v10;
	v10 =	vor.u32 $0x200, v0;
	v9 =	vld.idx.msk [tilespmem:v17+s10+$0x0], $0xffff  }
0x4e: {  	[tilespmem:s21+$0xFFFFFF00] =	vst v8;
	v8 =	vld.idx.msk [tilespmem:v18+s10+$0x0], $0xffff;
	v17 =	vor.u32 $0x180, v6  }
0x4f: {  	[tilespmem:s21+$0xFFFFFF50] =	vst v16;
	v16 =	vor.u32 $0x280, v7;
	v18 =	vld.idx.msk [tilespmem:v19+s10+$0x0], $0xffff  }
0x50: {  	v19 =	vor.u32 $0x180, v1;
	[tilespmem:s21+$0xFFFFFF20] =	vst v20;
	v12 =	vld.idx.msk [tilespmem:v12+s10+$0x0], $0xffff  }
0x51: {  	v61 =	vor.u32 $0x200, v4;
	[tilespmem:s21+$0xFFFFFFF0] =	vst v11;
	v15 =	vld.idx.msk [tilespmem:v15+s10+$0x0], $0xffff  }
0x52: {  	v11 =	vor.u32 $0x200, v5;
	v10 =	vld.idx.msk [tilespmem:v10+s10+$0x0], $0xffff;
	[tilespmem:s21+$0xFFFFFF40] =	vst v14  }
0x53: {  	v14 =	vor.u32 $0x200, v2;
	v17 =	vld.idx.msk [tilespmem:v17+s10+$0x0], $0xffff;
	[tilespmem:s21+$0x60] =	vst v9  }
0x54: {  	[tilespmem:s21+$0xFFFFFF10] =	vst v13;
	v13 =	vor.u32 $0x280, v0;
	v9 =	vld.idx.msk [tilespmem:v16+s10+$0x0], $0xffff  }
0x55: {  	[tilespmem:s21+$0xFFFFFF80] =	vst v18;
	v18 =	vor.u32 $0x200, v6;
	v16 =	vld.idx.msk [tilespmem:v19+s10+$0x0], $0xffff  }
0x56: {  	[tilespmem:s21+$0xFFFFFFD0] =	vst v12;
	v12 =	vor.u32 $0x300, v7;
	v19 =	vld.idx.msk [tilespmem:v61+s10+$0x0], $0xffff  }
0x57: {  	v62 =	vor.u32 $0x200, v1;
	v11 =	vld.idx.msk [tilespmem:v11+s10+$0x0], $0xffff;
	[tilespmem:s21+$0xFFFFFFA0] =	vst v15  }
0x58: {  	v15 =	vor.u32 $0x280, v4;
	[tilespmem:s21+$0x70] =	vst v10;
	v14 =	vld.idx.msk [tilespmem:v14+s10+$0x0], $0xffff  }
0x59: {  	v10 =	vor.u32 $0x280, v5;
	[tilespmem:s21+$0xFFFFFFC0] =	vst v17;
	v17 =	vld.idx.msk [tilespmem:v13+s10+$0x0], $0xffff  }
0x5a: {  	v13 =	vor.u32 $0x280, v2;
	v18 =	vld.idx.msk [tilespmem:v18+s10+$0x0], $0xffff;
	[tilespmem:s21+$0xE0] =	vst v9  }
0x5b: {  	[tilespmem:s21+$0xFFFFFF90] =	vst v16;
	v16 =	vor.u32 $0x300, v0;
	v12 =	vld.idx.msk [tilespmem:v12+s10+$0x0], $0xffff  }
0x5c: {  	v63 =	vor.u32 $0x280, v6;
	[tilespmem:s21+$0x0] =	vst v19;
	v19 =	vld.idx.msk [tilespmem:v62+s10+$0x0], $0xffff  }
0x5d: {  	v7 =	vor.u32 $0x380, v7;
	[tilespmem:s21+$0x50] =	vst v11;
	v9 =	vld.idx.msk [tilespmem:v15+s10+$0x0], $0xffff  }
0x5e: {  	v15 =	vor.u32 $0x180, v3;
	v21 =	vld.idx.msk [tilespmem:v10+s10+$0x0], $0xffff;
	[tilespmem:s21+$0x20] =	vst v14  }
0x5f: {  	v22 =	vor.u32 $0x280, v1;
	v13 =	vld.idx.msk [tilespmem:v13+s10+$0x0], $0xffff;
	[tilespmem:s21+$0xF0] =	vst v17  }
0x60: {  	[tilespmem:s21+$0x40] =	vst v18;
	v10 =	vld.idx.msk [tilespmem:v16+s10+$0x0], $0xffff;
	v16 =	vor.u32 $0x300, v5  }
0x61: {  	v14 =	vor.u32 $0x300, v2;
	v11 =	vld.idx.msk [tilespmem:v63+s10+$0x0], $0xffff;
	[tilespmem:s21+$0x160] =	vst v12  }
0x62: {  	[tilespmem:s21+$0xFFFFFF30] =	vst v8;
	v8 =	vld.idx.msk [tilespmem:v7+s10+$0x0], $0xffff  }
0x63: {  	[tilespmem:s21+$0x10] =	vst v19;
	v15 =	vld.idx.msk [tilespmem:v15+s10+$0x0], $0xffff  }
0x64: {  	s22 =	simm.s32 $0x0;
	s23 =	sadd.s32 $0x80, s19;
	s24 =	simm.s32 $0xEA00;
	v7 =	vor.u32 $0x300, v4;
	v12 =	vld.idx.msk [tilespmem:v22+s10+$0x0], $0xffff;
	[tilespmem:s21+$0xD0] =	vst v21  }
.LBB2_5:
0x65: {  	s22 =	sadd.s32 $0x8, s22;
	[tilespmem:s21+$0xA0] =	vst v13;
	v13 =	vld.idx.msk [tilespmem:v16+s10+$0x0], $0xffff;
	s24 =	sadd.s32 $0x400, s24  }
0x66: {  	p1 =	slt.u32 s22, $0x38;
	[tilespmem:s21+$0x80] =	vst v9;
	v9 =	vld.idx.msk [tilespmem:v14+s10+$0x0], $0xffff;
	v14 =	vor.u32 $0x300, v6  }
0x67: {  	v17 =	vor.u32 $0x200, v3;
	v16 =	vld [tilespmem:s23+$0x20];
	[tilespmem:s21+$0xC0] =	vst v11  }
0x68: {  	v5 =	vor.u32 $0x380, v5;
	v11 =	vld [tilespmem:s23+$0x0];
	[tilespmem:s21+$0x170] =	vst v10  }
0x69: {  	v10 =	vld [tilespmem:s23+$0xFFFFFFD0];
	[tilespmem:s21+$0xFFFFFFB0] =	vst v15  }
0x6a: {  	v7 =	vld.idx.msk [tilespmem:v7+s10+$0x0], $0xffff;
	[tilespmem:s21+$0x90] =	vst v12  }
0x6b: {  	v12 =	vld.idx.msk [tilespmem:v14+s10+$0x0], $0xffff;
	[tilespmem:s21+$0x150] =	vst v13  }
0x6c: {  	v14 =	vor.u32 $0x300, v1;
	v13 =	vshll.u32 v16, $0x3;
	[tilespmem:s21+$0x120] =	vst v9;
	v9 =	vld.idx.msk [tilespmem:v17+s10+$0x0], $0xffff  }
0x6d: {  	v13 =	vand.u32 $0xFFFFFC00, v13;
	v5 =	vld.idx.msk [tilespmem:v5+s10+$0x0], $0xffff;
	[tilespmem:s21+$0x1E0] =	vst v8  }
0x6e: {  	v8 =	vand.u32 $0x7F, v16;
	v16 =	vor.u32 $0x280, v3;
	v15 =	vld [tilespmem:s23+$0x10]  }
0x6f: {  	v17 =	vshll.u32 v10, $0x3;
	v8 =	vor.u32 v8, v13;
	v13 =	vld [tilespmem:s23+$0x30]  }
0x70: {  	v10 =	vand.u32 $0x7F, v10;
	v17 =	vand.u32 $0xFFFFFC00, v17;
	v18 =	vld [tilespmem:s23+$0xFFFFFFF0]  }
0x71: {  	v6 =	vor.u32 $0x380, v6;
	v10 =	vor.u32 v10, v17;
	v14 =	vld.idx.msk [tilespmem:v14+s10+$0x0], $0xffff  }
0x72: {  	v4 =	vor.u32 $0x380, v4;
	v17 =	vld [tilespmem:s23+$0xFFFFFFC0];
	[tilespmem:s21+$0x30] =	vst v9  }
0x73: {  	v9 =	vor.u32 $0x380, v1;
	v1 =	vmov v10;
	v16 =	vld.idx.msk [tilespmem:v16+s10+$0x0], $0xffff;
	[tilespmem:s21+$0x1D0] =	vst v5  }
0x74: {  	v19 =	vor.u32 $0x300, v3;
	v20 =	vor.u32 $0x380, v0;
	v10 =	vld.idx.msk [tilespmem:v8+s10+$0x0], $0xffff;
	v5 =	vshll.u32 v13, $0x3  }
0x75: {  	v0 =	vshll.u32 v15, $0x3;
	v13 =	vand.u32 $0x7F, v13;
	v21 =	vld [tilespmem:s23+$0xFFFFFFE0];
	v5 =	vand.u32 $0xFFFFFC00, v5;
	[tilespmem:s21+$0x140] =	vst v12  }
0x76: {  	v15 =	vand.u32 $0x7F, v15;
	v12 =	vand.u32 $0xFFFFFC00, v0;
	v0 =	vor.u32 v13, v5;
	[tilespmem:s21+$0x100] =	vst v7;
	v6 =	vld.idx.msk [tilespmem:v6+s10+$0x0], $0xffff  }
0x77: {  	v5 =	vor.u32 v15, v12;
	v12 =	vld.idx.msk [tilespmem:v4+s10+$0x0], $0xffff;
	[tilespmem:s21+$0x110] =	vst v14  }
0x78: {  	v13 =	vor.u32 $0x380, v2;
	v4 =	vshll.u32 v17, $0x3;
	v9 =	vld.idx.msk [tilespmem:v9+s10+$0x0], $0xffff  }
0x79: {  	v14 =	vor.u32 $0x80, v1;
	v2 =	vand.u32 $0xFFFFFC00, v4;
	v4 =	vand.u32 $0x7F, v17;
	[tilespmem:s21+$0xB0] =	vst v16;
	v15 =	vld.idx.msk [tilespmem:v20+s10+$0x0], $0xffff  }
0x7a: {  	v4 =	vor.u32 v4, v2;
	v16 =	vld.idx.msk [tilespmem:v19+s10+$0x0], $0xffff  }
0x7b: {  	v7 =	vor.u32 $0x300, v4;
	v2 =	vshll.u32 v21, $0x3;
	[tilespmem:s24+$0xFFFFFE60] =	vst v10;
	v10 =	vor.u32 $0x80, v8;
	v17 =	vld.idx.msk [tilespmem:v0+s10+$0x0], $0xffff  }
0x7c: {  	v19 =	vand.u32 $0x7F, v21;
	v21 =	vor.u32 $0x380, v3;
	v2 =	vand.u32 $0xFFFFFC00, v2;
	v20 =	vld.idx.msk [tilespmem:v5+s10+$0x0], $0xffff;
	[tilespmem:s21+$0x1C0] =	vst v6  }
0x7d: {  	v2 =	vor.u32 v19, v2;
	[tilespmem:s21+$0x180] =	vst v12;
	v12 =	vld.idx.msk [tilespmem:v13+s10+$0x0], $0xffff  }
0x7e: {  	v22 =	vor.u32 $0x80, v0;
	v3 =	vshll.u32 v18, $0x3;
	v19 =	vor.u32 $0x80, v5;
	v13 =	vld.idx.msk [tilespmem:v1+s10+$0x0], $0xffff;
	[tilespmem:s21+$0x190] =	vst v9  }
0x7f: {  	v3 =	vand.u32 $0xFFFFFC00, v3;
	v6 =	vand.u32 $0x7F, v18;
	v18 =	vshll.u32 v11, $0x3;
	v9 =	vld.idx.msk [tilespmem:v4+s10+$0x0], $0xffff;
	[tilespmem:s21+$0x1F0] =	vst v15  }
0x80: {  	v11 =	vand.u32 $0x7F, v11;
	v3 =	vor.u32 v6, v3;
	v6 =	vand.u32 $0xFFFFFC00, v18;
	v10 =	vld.idx.msk [tilespmem:v10+s10+$0x0], $0xffff;
	[tilespmem:s21+$0x130] =	vst v16  }
0x81: {  	v6 =	vor.u32 v11, v6;
	v15 =	vor.u32 $0x80, v4;
	[tilespmem:s24+$0xFFFFFE70] =	vst v17;
	v11 =	vld.idx.msk [tilespmem:v21+s10+$0x0], $0xffff  }
0x82: {  	v17 =	vor.u32 $0x100, v8;
	v16 =	vld.idx.msk [tilespmem:v2+s10+$0x0], $0xffff;
	[tilespmem:s24+$0xFFFFFE50] =	vst v20  }
0x83: {  	v18 =	vld.idx.msk [tilespmem:v22+s10+$0x0], $0xffff;
	[tilespmem:s21+$0x1A0] =	vst v12  }
0x84: {  	v12 =	vor.u32 $0x80, v2;
	[tilespmem:s24+$0xFFFFFE10] =	vst v13;
	v13 =	vld.idx.msk [tilespmem:v19+s10+$0x0], $0xffff  }
0x85: {  	v19 =	vor.u32 $0x100, v0;
	[tilespmem:s24+$0xFFFFFE00] =	vst v9;
	v9 =	vld.idx.msk [tilespmem:v3+s10+$0x0], $0xffff  }
0x86: {  	v20 =	vld.idx.msk [tilespmem:v6+s10+$0x0], $0xffff;
	[tilespmem:s24+$0xFFFFFEE0] =	vst v10  }
0x87: {  	v10 =	vor.u32 $0x80, v3;
	v17 =	vld.idx.msk [tilespmem:v17+s10+$0x0], $0xffff;
	[tilespmem:s21+$0x1B0] =	vst v11;
	s21 =	smov.u32 s24  }
0x88: {  	v11 =	vld.idx.msk [tilespmem:v15+s10+$0x0], $0xffff;
	[tilespmem:s24+$0xFFFFFE20] =	vst v16;
	v15 =	vor.u32 $0x80, v6  }
0x89: {  	v16 =	vor.u32 $0x180, v8;
	v14 =	vld.idx.msk [tilespmem:v14+s10+$0x0], $0xffff;
	[tilespmem:s24+$0xFFFFFEF0] =	vst v18  }
0x8a: {  	v18 =	vor.u32 $0x100, v4;
	[tilespmem:s24+$0xFFFFFED0] =	vst v13;
	v13 =	vld.idx.msk [tilespmem:v19+s10+$0x0], $0xffff  }
0x8b: {  	v19 =	vor.u32 $0x100, v1;
	v12 =	vld.idx.msk [tilespmem:v12+s10+$0x0], $0xffff;
	[tilespmem:s24+$0xFFFFFE30] =	vst v9  }
0x8c: {  	v9 =	vld.idx.msk [tilespmem:v10+s10+$0x0], $0xffff;
	[tilespmem:s24+$0xFFFFFE40] =	vst v20;
	v10 =	vor.u32 $0x100, v5  }
0x8d: {  	v20 =	vor.u32 $0x100, v2;
	v15 =	vld.idx.msk [tilespmem:v15+s10+$0x0], $0xffff;
	[tilespmem:s24+$0xFFFFFF60] =	vst v17  }
0x8e: {  	[tilespmem:s24+$0xFFFFFE80] =	vst v11;
	v11 =	vld.idx.msk [tilespmem:v16+s10+$0x0], $0xffff;
	v16 =	vor.u32 $0x180, v0  }
0x8f: {  	v17 =	vld.idx.msk [tilespmem:v18+s10+$0x0], $0xffff;
	[tilespmem:s24+$0xFFFFFE90] =	vst v14;
	v14 =	vor.u32 $0x100, v6  }
0x90: {  	v18 =	vld.idx.msk [tilespmem:v19+s10+$0x0], $0xffff;
	v19 =	vor.u32 $0x200, v8  }
0x91: {  	[tilespmem:s24+$0xFFFFFEA0] =	vst v12;
	v12 =	vor.u32 $0x100, v3;
	v10 =	vld.idx.msk [tilespmem:v10+s10+$0x0], $0xffff  }
0x92: {  	v21 =	vor.u32 $0x180, v4;
	v20 =	vld.idx.msk [tilespmem:v20+s10+$0x0], $0xffff;
	[tilespmem:s24+$0xFFFFFF70] =	vst v13  }
0x93: {  	v13 =	vor.u32 $0x180, v5;
	[tilespmem:s24+$0xFFFFFEC0] =	vst v15;
	v15 =	vld.idx.msk [tilespmem:v16+s10+$0x0], $0xffff  }
0x94: {  	v16 =	vor.u32 $0x180, v2;
	v14 =	vld.idx.msk [tilespmem:v14+s10+$0x0], $0xffff;
	[tilespmem:s24+$0xFFFFFFE0] =	vst v11  }
0x95: {  	v11 =	vor.u32 $0x200, v0;
	[tilespmem:s24+$0xFFFFFEB0] =	vst v9;
	v9 =	vld.idx.msk [tilespmem:v19+s10+$0x0], $0xffff  }
0x96: {  	[tilespmem:s24+$0xFFFFFF00] =	vst v17;
	v12 =	vld.idx.msk [tilespmem:v12+s10+$0x0], $0xffff;
	v17 =	vor.u32 $0x180, v6  }
0x97: {  	v19 =	vld.idx.msk [tilespmem:v21+s10+$0x0], $0xffff;
	[tilespmem:s24+$0xFFFFFF50] =	vst v10;
	v10 =	vor.u32 $0x280, v8  }
0x98: {  	v21 =	vor.u32 $0x180, v1;
	[tilespmem:s24+$0xFFFFFF20] =	vst v20;
	v13 =	vld.idx.msk [tilespmem:v13+s10+$0x0], $0xffff  }
0x99: {  	v20 =	vor.u32 $0x200, v4;
	v16 =	vld.idx.msk [tilespmem:v16+s10+$0x0], $0xffff;
	[tilespmem:s24+$0xFFFFFFF0] =	vst v15  }
0x9a: {  	[tilespmem:s24+$0xFFFFFF40] =	vst v14;
	v14 =	vor.u32 $0x200, v5;
	v11 =	vld.idx.msk [tilespmem:v11+s10+$0x0], $0xffff  }
0x9b: {  	v15 =	vor.u32 $0x200, v2;
	v17 =	vld.idx.msk [tilespmem:v17+s10+$0x0], $0xffff;
	[tilespmem:s24+$0x60] =	vst v9  }
0x9c: {  	[tilespmem:s24+$0xFFFFFF10] =	vst v18;
	v9 =	vld.idx.msk [tilespmem:v10+s10+$0x0], $0xffff;
	v10 =	vor.u32 $0x280, v0  }
0x9d: {  	[tilespmem:s24+$0xFFFFFF80] =	vst v19;
	v18 =	vld.idx.msk [tilespmem:v21+s10+$0x0], $0xffff;
	v19 =	vor.u32 $0x200, v6  }
0x9e: {  	v20 =	vld.idx.msk [tilespmem:v20+s10+$0x0], $0xffff;
	[tilespmem:s24+$0xFFFFFFD0] =	vst v13;
	v13 =	vor.u32 $0x300, v8  }
0x9f: {  	v21 =	vor.u32 $0x200, v1;
	[tilespmem:s24+$0xFFFFFFA0] =	vst v16;
	v14 =	vld.idx.msk [tilespmem:v14+s10+$0x0], $0xffff  }
0xa0: {  	v16 =	vor.u32 $0x280, v4;
	v15 =	vld.idx.msk [tilespmem:v15+s10+$0x0], $0xffff;
	[tilespmem:s24+$0x70] =	vst v11  }
0xa1: {  	v11 =	vor.u32 $0x280, v5;
	[tilespmem:s24+$0xFFFFFFC0] =	vst v17;
	v10 =	vld.idx.msk [tilespmem:v10+s10+$0x0], $0xffff  }
0xa2: {  	v17 =	vor.u32 $0x280, v2;
	v19 =	vld.idx.msk [tilespmem:v19+s10+$0x0], $0xffff;
	[tilespmem:s24+$0xE0] =	vst v9  }
0xa3: {  	v22 =	vor.u32 $0x300, v0;
	[tilespmem:s24+$0xFFFFFF90] =	vst v18;
	v18 =	vld.idx.msk [tilespmem:v13+s10+$0x0], $0xffff  }
0xa4: {  	[tilespmem:s24+$0x0] =	vst v20;
	v20 =	vld.idx.msk [tilespmem:v21+s10+$0x0], $0xffff;
	v21 =	vor.u32 $0x280, v6  }
0xa5: {  	v23 =	vor.u32 $0x180, v3;
	v8 =	vor.u32 $0x380, v8;
	v9 =	vld.idx.msk [tilespmem:v16+s10+$0x0], $0xffff;
	[tilespmem:s24+$0x50] =	vst v14  }
0xa6: {  	[tilespmem:s24+$0x20] =	vst v15;
	v24 =	vld.idx.msk [tilespmem:v11+s10+$0x0], $0xffff  }
0xa7: {  	v25 =	vor.u32 $0x280, v1;
	v13 =	vld.idx.msk [tilespmem:v17+s10+$0x0], $0xffff;
	[tilespmem:s24+$0xF0] =	vst v10  }
.Ltmp5:
0xa8: {  	v16 =	vor.u32 $0x300, v5;
	[tilespmem:s24+$0x40] =	vst v19;
	v10 =	vld.idx.msk [tilespmem:v22+s10+$0x0], $0xffff;
	(pc) =	sbr.rel @p1 .LBB2_5-.Ltmp5, $4  }
0xa9: {  	v14 =	vor.u32 $0x300, v2;
	v11 =	vld.idx.msk [tilespmem:v21+s10+$0x0], $0xffff;
	[tilespmem:s24+$0x160] =	vst v18  }
0xaa: {  	[tilespmem:s24+$0xFFFFFF30] =	vst v12;
	v8 =	vld.idx.msk [tilespmem:v8+s10+$0x0], $0xffff  }
0xab: {  	[tilespmem:s24+$0x10] =	vst v20;
	v15 =	vld.idx.msk [tilespmem:v23+s10+$0x0], $0xffff  }
0xac: {  	s23 =	sadd.s32 $0x80, s23;
	v12 =	vld.idx.msk [tilespmem:v25+s10+$0x0], $0xffff;
	[tilespmem:s24+$0xD0] =	vst v24  }
0xad: {  	v17 =	vor.u32 $0x200, v3;
	_ =	sdelay $0x3  }
0xae: {  	[tilespmem:s21+$0xFFFFFFB0] =	vst v15  }
0xaf: {  	v15 =	vld.idx.msk [tilespmem:v17+s10+$0x0], $0xffff  }
0xb0: {  	v17 =	vor.u32 $0x280, v3  }
0xb1: {  	v18 =	vor.u32 $0x300, v6  }
0xb2: {  	[tilespmem:s21+$0xA0] =	vst v13  }
0xb3: {  	[tilespmem:s21+$0x80] =	vst v9  }
0xb4: {  	v13 =	vld.idx.msk [tilespmem:v16+s10+$0x0], $0xffff;
	v9 =	vor.u32 $0x300, v1;
	[tilespmem:s21+$0x30] =	vst v15  }
0xb5: {  	v0 =	vor.u32 $0x380, v0;
	[tilespmem:s21+$0xC0] =	vst v11;
	v11 =	vld.idx.msk [tilespmem:v17+s10+$0x0], $0xffff  }
0xb6: {  	[tilespmem:s21+$0x170] =	vst v10;
	v10 =	vld.idx.msk [tilespmem:v18+s10+$0x0], $0xffff;
	v15 =	vor.u32 $0x300, v3  }
0xb7: {  	v5 =	vor.u32 $0x380, v5;
	v7 =	vld.idx.msk [tilespmem:v7+s10+$0x0], $0xffff;
	[tilespmem:s21+$0x1E0] =	vst v8  }
0xb8: {  	v4 =	vor.u32 $0x380, v4;
	v14 =	vld.idx.msk [tilespmem:v14+s10+$0x0], $0xffff;
	[tilespmem:s21+$0x90] =	vst v12  }
0xb9: {  	v2 =	vor.u32 $0x380, v2;
	[tilespmem:s21+$0x150] =	vst v13;
	v9 =	vld.idx.msk [tilespmem:v9+s10+$0x0], $0xffff  }
0xba: {  	v6 =	vor.u32 $0x380, v6;
	v0 =	vld.idx.msk [tilespmem:v0+s10+$0x0], $0xffff;
	[tilespmem:s21+$0xB0] =	vst v11  }
0xbb: {  	v1 =	vor.u32 $0x380, v1;
	[tilespmem:s21+$0x140] =	vst v10;
	v10 =	vld.idx.msk [tilespmem:v15+s10+$0x0], $0xffff  }
0xbc: {  	v5 =	vld.idx.msk [tilespmem:v5+s10+$0x0], $0xffff;
	[tilespmem:s21+$0x100] =	vst v7;
	v3 =	vor.u32 $0x380, v3  }
0xbd: {  	[tilespmem:s21+$0x120] =	vst v14;
	v4 =	vld.idx.msk [tilespmem:v4+s10+$0x0], $0xffff  }
0xbe: {  	v2 =	vld.idx.msk [tilespmem:v2+s10+$0x0], $0xffff;
	[tilespmem:s21+$0x110] =	vst v9  }
0xbf: {  	[tilespmem:s21+$0x1F0] =	vst v0;
	v6 =	vld.idx.msk [tilespmem:v6+s10+$0x0], $0xffff  }
0xc0: {  	v1 =	vld.idx.msk [tilespmem:v1+s10+$0x0], $0xffff;
	[tilespmem:s21+$0x130] =	vst v10  }
0xc1: {  	[tilespmem:s21+$0x1D0] =	vst v5;
	v3 =	vld.idx.msk [tilespmem:v3+s10+$0x0], $0xffff  }
0xc2: {  	[tilespmem:s21+$0x180] =	vst v4  }
0xc3: {  	s22 =	sshll.u32 s17, $0xE;
	[tilespmem:s21+$0x1A0] =	vst v2  }
0xc4: {  	s22 =	sadd.s32 s18, s22;
	[tilespmem:s21+$0x1C0] =	vst v6  }
0xc5: {  	s22 =	sshrl.u32 s22, $0x3;
	[tilespmem:s21+$0x190] =	vst v1  }
0xc6: {  	s31 =	sadd.s32 s1, s22;
	[tilespmem:s21+$0x1B0] =	vst v3;
	s21 =	simm.s32 @!p0 $0x2  }
0xc7: {  	[hbm4b:s31+s2] =	stream.linear.scatter [tilespmem:s11], [sflag:$0x1], $0x2000, $0x38;
	[tilespmem:$0x12800] =	vst v63  }
0xc8: {  	_ =	swait.ge @!p0 [sflag:s21], $0x2000  }
0xc9: {  	[sflag:s21] =	ssyncset.done @!p0 $0x0  }
0xca: {  	[sflag:s21] =	ssyncadd.s32 @!p0 $0xFFFFE000  }
0xcb: {  	v0 =	vld [tilespmem:s20+$0xFFFFFFF0]  }
0xcc: {  	v1 =	vld [tilespmem:s20+$0xFFFFFFA0]  }
0xcd: {  	v2 =	vld [tilespmem:s20+$0x0]  }
0xce: {  	v3 =	vld [tilespmem:s20+$0xFFFFFFE0];
	_ =	sdelay $0x1  }
0xcf: {  	v6 =	vld [tilespmem:s20+$0xFFFFFF90];
	v4 =	vshll.u32 v0, $0x3  }
0xd0: {  	v0 =	vand.u32 $0x7F, v0;
	v5 =	vshll.u32 v1, $0x3;
	v4 =	vand.u32 $0xFFFFFC00, v4  }
0xd1: {  	v8 =	vld [tilespmem:s20+$0xFFFFFFB0];
	v7 =	vor.u32 v0, v4;
	v4 =	vand.u32 $0xFFFFFC00, v5;
	v0 =	vshll.u32 v2, $0x3  }
0xd2: {  	v5 =	vshll.u32 v3, $0x3;
	v2 =	vand.u32 $0x7F, v2;
	v0 =	vand.u32 $0xFFFFFC00, v0  }
0xd3: {  	v9 =	vld [tilespmem:s20+$0xFFFFFFC0];
	v3 =	vand.u32 $0x7F, v3;
	v5 =	vand.u32 $0xFFFFFC00, v5;
	v0 =	vor.u32 v2, v0  }
0xd4: {  	v10 =	vld [tilespmem:s20+$0xFFFFFFD0];
	v1 =	vand.u32 $0x7F, v1;
	v5 =	vor.u32 v3, v5;
	v2 =	vshll.u32 v6, $0x3  }
0xd5: {  	v1 =	vor.u32 v1, v4;
	v3 =	vand.u32 $0x7F, v6;
	v2 =	vand.u32 $0xFFFFFC00, v2  }
0xd6: {  	v4 =	vor.u32 v3, v2;
	v2 =	vshll.u32 v8, $0x3;
	v6 =	vld.idx.msk [tilespmem:v7+s10+$0x0], $0xffff  }
0xd7: {  	v11 =	vor.u32 $0x80, v7;
	v3 =	vand.u32 $0x7F, v8;
	v2 =	vand.u32 $0xFFFFFC00, v2  }
0xd8: {  	v2 =	vor.u32 v3, v2;
	v8 =	vld.idx.msk [tilespmem:v0+s10+$0x0], $0xffff  }
0xd9: {  	v16 =	vshll.u32 v10, $0x3;
	v14 =	vor.u32 $0x80, v0;
	v3 =	vshll.u32 v9, $0x3;
	v12 =	vld.idx.msk [tilespmem:v5+s10+$0x0], $0xffff  }
0xda: {  	s21 =	simm.s32 $0x10BF0;
	v13 =	vor.u32 $0x80, v5;
	v15 =	vld.idx.msk [tilespmem:v1+s10+$0x0], $0xffff;
	v9 =	vand.u32 $0x7F, v9;
	v3 =	vand.u32 $0xFFFFFC00, v3  }
0xdb: {  	v3 =	vor.u32 v9, v3;
	v9 =	vand.u32 $0x7F, v10;
	v17 =	vld.idx.msk [tilespmem:v4+s10+$0x0], $0xffff;
	[tilespmem:s21+$0xFFFFFC70] =	vst v6;
	v6 =	vand.u32 $0xFFFFFC00, v16  }
0xdc: {  	v10 =	vld.idx.msk [tilespmem:v11+s10+$0x0], $0xffff;
	v6 =	vor.u32 v9, v6  }
0xdd: {  	v11 =	vor.u32 $0x80, v4;
	[tilespmem:s21+$0xFFFFFC80] =	vst v8;
	v8 =	vld.idx.msk [tilespmem:v2+s10+$0x0], $0xffff  }
0xde: {  	v9 =	vor.u32 $0x100, v7;
	[tilespmem:s21+$0xFFFFFC60] =	vst v12;
	v12 =	vld.idx.msk [tilespmem:v14+s10+$0x0], $0xffff  }
0xdf: {  	v14 =	vor.u32 $0x80, v1;
	v13 =	vld.idx.msk [tilespmem:v13+s10+$0x0], $0xffff  }
0xe0: {  	v19 =	vor.u32 $0x80, v2;
	[tilespmem:s21+$0xFFFFFC20] =	vst v15;
	v16 =	vld.idx.msk [tilespmem:v3+s10+$0x0], $0xffff  }
0xe1: {  	v18 =	vor.u32 $0x100, v0;
	[tilespmem:s21+$0xFFFFFC10] =	vst v17;
	v20 =	vld.idx.msk [tilespmem:v6+s10+$0x0], $0xffff  }
0xe2: {  	[tilespmem:s21+$0xFFFFFCF0] =	vst v10;
	v10 =	vor.u32 $0x80, v3;
	v11 =	vld.idx.msk [tilespmem:v11+s10+$0x0], $0xffff  }
0xe3: {  	v15 =	vor.u32 $0x80, v6;
	v9 =	vld.idx.msk [tilespmem:v9+s10+$0x0], $0xffff;
	[tilespmem:s21+$0xFFFFFC30] =	vst v8  }
0xe4: {  	v8 =	vor.u32 $0x100, v4;
	v14 =	vld.idx.msk [tilespmem:v14+s10+$0x0], $0xffff;
	[tilespmem:s21+$0xFFFFFD00] =	vst v12  }
0xe5: {  	v17 =	vor.u32 $0x180, v7;
	v19 =	vld.idx.msk [tilespmem:v19+s10+$0x0], $0xffff;
	[tilespmem:s21+$0xFFFFFC40] =	vst v16  }
0xe6: {  	v16 =	vor.u32 $0x100, v5;
	[tilespmem:s21+$0xFFFFFCE0] =	vst v13;
	v12 =	vld.idx.msk [tilespmem:v18+s10+$0x0], $0xffff  }
0xe7: {  	v18 =	vor.u32 $0x100, v1;
	v10 =	vld.idx.msk [tilespmem:v10+s10+$0x0], $0xffff;
	[tilespmem:s21+$0xFFFFFC50] =	vst v20  }
0xe8: {  	v60 =	vor.u32 $0x100, v2;
	[tilespmem:s21+$0xFFFFFC90] =	vst v11;
	v15 =	vld.idx.msk [tilespmem:v15+s10+$0x0], $0xffff  }
0xe9: {  	v11 =	vor.u32 $0x180, v0;
	[tilespmem:s21+$0xFFFFFD70] =	vst v9;
	v8 =	vld.idx.msk [tilespmem:v8+s10+$0x0], $0xffff  }
0xea: {  	v9 =	vld.idx.msk [tilespmem:v17+s10+$0x0], $0xffff;
	[tilespmem:s21+$0xFFFFFCA0] =	vst v14;
	v14 =	vor.u32 $0x100, v6  }
0xeb: {  	v17 =	vor.u32 $0x200, v7;
	v16 =	vld.idx.msk [tilespmem:v16+s10+$0x0], $0xffff  }
0xec: {  	[tilespmem:s21+$0xFFFFFCB0] =	vst v19;
	v13 =	vld.idx.msk [tilespmem:v18+s10+$0x0], $0xffff;
	v18 =	vor.u32 $0x100, v3  }
0xed: {  	v19 =	vor.u32 $0x180, v4;
	v20 =	vld.idx.msk [tilespmem:v60+s10+$0x0], $0xffff;
	[tilespmem:s21+$0xFFFFFD80] =	vst v12  }
0xee: {  	v12 =	vor.u32 $0x180, v5;
	v11 =	vld.idx.msk [tilespmem:v11+s10+$0x0], $0xffff;
	[tilespmem:s21+$0xFFFFFCD0] =	vst v15  }
0xef: {  	v15 =	vor.u32 $0x180, v2;
	v14 =	vld.idx.msk [tilespmem:v14+s10+$0x0], $0xffff;
	[tilespmem:s21+$0xFFFFFDF0] =	vst v9  }
0xf0: {  	[tilespmem:s21+$0xFFFFFCC0] =	vst v10;
	v10 =	vor.u32 $0x200, v0;
	v9 =	vld.idx.msk [tilespmem:v17+s10+$0x0], $0xffff  }
0xf1: {  	[tilespmem:s21+$0xFFFFFD10] =	vst v8;
	v8 =	vld.idx.msk [tilespmem:v18+s10+$0x0], $0xffff;
	v17 =	vor.u32 $0x180, v6  }
0xf2: {  	[tilespmem:s21+$0xFFFFFD60] =	vst v16;
	v16 =	vor.u32 $0x280, v7;
	v18 =	vld.idx.msk [tilespmem:v19+s10+$0x0], $0xffff  }
0xf3: {  	v19 =	vor.u32 $0x180, v1;
	[tilespmem:s21+$0xFFFFFD30] =	vst v20;
	v12 =	vld.idx.msk [tilespmem:v12+s10+$0x0], $0xffff  }
0xf4: {  	v61 =	vor.u32 $0x200, v4;
	[tilespmem:s21+$0xFFFFFE00] =	vst v11;
	v15 =	vld.idx.msk [tilespmem:v15+s10+$0x0], $0xffff  }
0xf5: {  	v11 =	vor.u32 $0x200, v5;
	v10 =	vld.idx.msk [tilespmem:v10+s10+$0x0], $0xffff;
	[tilespmem:s21+$0xFFFFFD50] =	vst v14  }
0xf6: {  	v14 =	vor.u32 $0x200, v2;
	v17 =	vld.idx.msk [tilespmem:v17+s10+$0x0], $0xffff;
	[tilespmem:s21+$0xFFFFFE70] =	vst v9  }
0xf7: {  	[tilespmem:s21+$0xFFFFFD20] =	vst v13;
	v13 =	vor.u32 $0x280, v0;
	v9 =	vld.idx.msk [tilespmem:v16+s10+$0x0], $0xffff  }
0xf8: {  	[tilespmem:s21+$0xFFFFFD90] =	vst v18;
	v18 =	vor.u32 $0x200, v6;
	v16 =	vld.idx.msk [tilespmem:v19+s10+$0x0], $0xffff  }
0xf9: {  	[tilespmem:s21+$0xFFFFFDE0] =	vst v12;
	v12 =	vor.u32 $0x300, v7;
	v19 =	vld.idx.msk [tilespmem:v61+s10+$0x0], $0xffff  }
0xfa: {  	v62 =	vor.u32 $0x200, v1;
	v11 =	vld.idx.msk [tilespmem:v11+s10+$0x0], $0xffff;
	[tilespmem:s21+$0xFFFFFDB0] =	vst v15  }
0xfb: {  	v15 =	vor.u32 $0x280, v4;
	[tilespmem:s21+$0xFFFFFE80] =	vst v10;
	v14 =	vld.idx.msk [tilespmem:v14+s10+$0x0], $0xffff  }
0xfc: {  	v10 =	vor.u32 $0x280, v5;
	[tilespmem:s21+$0xFFFFFDD0] =	vst v17;
	v17 =	vld.idx.msk [tilespmem:v13+s10+$0x0], $0xffff  }
0xfd: {  	v13 =	vor.u32 $0x280, v2;
	v18 =	vld.idx.msk [tilespmem:v18+s10+$0x0], $0xffff;
	[tilespmem:s21+$0xFFFFFEF0] =	vst v9  }
0xfe: {  	[tilespmem:s21+$0xFFFFFDA0] =	vst v16;
	v16 =	vor.u32 $0x300, v0;
	v12 =	vld.idx.msk [tilespmem:v12+s10+$0x0], $0xffff  }
0xff: {  	v63 =	vor.u32 $0x280, v6;
	[tilespmem:s21+$0xFFFFFE10] =	vst v19;
	v19 =	vld.idx.msk [tilespmem:v62+s10+$0x0], $0xffff  }
0x100: {  	v7 =	vor.u32 $0x380, v7;
	[tilespmem:s21+$0xFFFFFE60] =	vst v11;
	v9 =	vld.idx.msk [tilespmem:v15+s10+$0x0], $0xffff  }
0x101: {  	v15 =	vor.u32 $0x180, v3;
	v21 =	vld.idx.msk [tilespmem:v10+s10+$0x0], $0xffff;
	[tilespmem:s21+$0xFFFFFE30] =	vst v14  }
0x102: {  	v22 =	vor.u32 $0x280, v1;
	v13 =	vld.idx.msk [tilespmem:v13+s10+$0x0], $0xffff;
	[tilespmem:s21+$0xFFFFFF00] =	vst v17  }
0x103: {  	[tilespmem:s21+$0xFFFFFE50] =	vst v18;
	v10 =	vld.idx.msk [tilespmem:v16+s10+$0x0], $0xffff;
	v16 =	vor.u32 $0x300, v5  }
0x104: {  	v14 =	vor.u32 $0x300, v2;
	v11 =	vld.idx.msk [tilespmem:v63+s10+$0x0], $0xffff;
	[tilespmem:s21+$0xFFFFFF70] =	vst v12  }
0x105: {  	[tilespmem:s21+$0xFFFFFD40] =	vst v8;
	v8 =	vld.idx.msk [tilespmem:v7+s10+$0x0], $0xffff  }
0x106: {  	s23 =	simm.s32 $0x0;
	[tilespmem:s21+$0xFFFFFE20] =	vst v19;
	v15 =	vld.idx.msk [tilespmem:v15+s10+$0x0], $0xffff  }
0x107: {  	s24 =	sadd.s32 $0x80, s20;
	s25 =	simm.s32 $0x10BF0;
	s22 =	sshllo.u32 s17, $0x1;
	v7 =	vor.u32 $0x300, v4;
	v12 =	vld.idx.msk [tilespmem:v22+s10+$0x0], $0xffff;
	[tilespmem:s21+$0xFFFFFEE0] =	vst v21  }
.LBB2_7:
0x108: {  	s23 =	sadd.s32 $0x8, s23;
	[tilespmem:s21+$0xFFFFFEB0] =	vst v13;
	v13 =	vld.idx.msk [tilespmem:v16+s10+$0x0], $0xffff;
	s25 =	sadd.s32 $0x400, s25  }
0x109: {  	p0 =	slt.u32 s23, $0x38;
	[tilespmem:s21+$0xFFFFFE90] =	vst v9;
	v9 =	vld.idx.msk [tilespmem:v14+s10+$0x0], $0xffff;
	v14 =	vor.u32 $0x300, v6  }
0x10a: {  	v17 =	vor.u32 $0x200, v3;
	v16 =	vld [tilespmem:s24+$0xFFFFFFF0];
	[tilespmem:s21+$0xFFFFFED0] =	vst v11  }
0x10b: {  	v5 =	vor.u32 $0x380, v5;
	v11 =	vld [tilespmem:s24+$0xFFFFFFD0];
	[tilespmem:s21+$0xFFFFFF80] =	vst v10  }
0x10c: {  	v10 =	vld [tilespmem:s24+$0xFFFFFFA0];
	[tilespmem:s21+$0xFFFFFDC0] =	vst v15  }
0x10d: {  	v7 =	vld.idx.msk [tilespmem:v7+s10+$0x0], $0xffff;
	[tilespmem:s21+$0xFFFFFEA0] =	vst v12  }
0x10e: {  	v12 =	vld.idx.msk [tilespmem:v14+s10+$0x0], $0xffff;
	[tilespmem:s21+$0xFFFFFF60] =	vst v13  }
0x10f: {  	v14 =	vor.u32 $0x300, v1;
	v13 =	vshll.u32 v16, $0x3;
	[tilespmem:s21+$0xFFFFFF30] =	vst v9;
	v9 =	vld.idx.msk [tilespmem:v17+s10+$0x0], $0xffff  }
0x110: {  	v13 =	vand.u32 $0xFFFFFC00, v13;
	v5 =	vld.idx.msk [tilespmem:v5+s10+$0x0], $0xffff;
	[tilespmem:s21+$0xFFFFFFF0] =	vst v8  }
0x111: {  	v8 =	vand.u32 $0x7F, v16;
	v16 =	vor.u32 $0x280, v3;
	v15 =	vld [tilespmem:s24+$0xFFFFFFE0]  }
0x112: {  	v17 =	vshll.u32 v10, $0x3;
	v8 =	vor.u32 v8, v13;
	v13 =	vld [tilespmem:s24+$0x0]  }
0x113: {  	v10 =	vand.u32 $0x7F, v10;
	v17 =	vand.u32 $0xFFFFFC00, v17;
	v18 =	vld [tilespmem:s24+$0xFFFFFFC0]  }
0x114: {  	v6 =	vor.u32 $0x380, v6;
	v10 =	vor.u32 v10, v17;
	v14 =	vld.idx.msk [tilespmem:v14+s10+$0x0], $0xffff  }
0x115: {  	v4 =	vor.u32 $0x380, v4;
	v17 =	vld [tilespmem:s24+$0xFFFFFF90];
	[tilespmem:s21+$0xFFFFFE40] =	vst v9  }
0x116: {  	v9 =	vor.u32 $0x380, v1;
	v1 =	vmov v10;
	v16 =	vld.idx.msk [tilespmem:v16+s10+$0x0], $0xffff;
	[tilespmem:s21+$0xFFFFFFE0] =	vst v5  }
0x117: {  	v19 =	vor.u32 $0x300, v3;
	v20 =	vor.u32 $0x380, v0;
	v10 =	vld.idx.msk [tilespmem:v8+s10+$0x0], $0xffff;
	v5 =	vshll.u32 v13, $0x3  }
0x118: {  	v0 =	vshll.u32 v15, $0x3;
	v13 =	vand.u32 $0x7F, v13;
	v21 =	vld [tilespmem:s24+$0xFFFFFFB0];
	v5 =	vand.u32 $0xFFFFFC00, v5;
	[tilespmem:s21+$0xFFFFFF50] =	vst v12  }
0x119: {  	v15 =	vand.u32 $0x7F, v15;
	v12 =	vand.u32 $0xFFFFFC00, v0;
	v0 =	vor.u32 v13, v5;
	[tilespmem:s21+$0xFFFFFF10] =	vst v7;
	v6 =	vld.idx.msk [tilespmem:v6+s10+$0x0], $0xffff  }
0x11a: {  	v5 =	vor.u32 v15, v12;
	v12 =	vld.idx.msk [tilespmem:v4+s10+$0x0], $0xffff;
	[tilespmem:s21+$0xFFFFFF20] =	vst v14  }
0x11b: {  	v13 =	vor.u32 $0x380, v2;
	v4 =	vshll.u32 v17, $0x3;
	v9 =	vld.idx.msk [tilespmem:v9+s10+$0x0], $0xffff  }
0x11c: {  	v14 =	vor.u32 $0x80, v1;
	v2 =	vand.u32 $0xFFFFFC00, v4;
	v4 =	vand.u32 $0x7F, v17;
	[tilespmem:s21+$0xFFFFFEC0] =	vst v16;
	v15 =	vld.idx.msk [tilespmem:v20+s10+$0x0], $0xffff  }
0x11d: {  	v4 =	vor.u32 v4, v2;
	v16 =	vld.idx.msk [tilespmem:v19+s10+$0x0], $0xffff  }
0x11e: {  	v7 =	vor.u32 $0x300, v4;
	v2 =	vshll.u32 v21, $0x3;
	[tilespmem:s25+$0xFFFFFC70] =	vst v10;
	v10 =	vor.u32 $0x80, v8;
	v17 =	vld.idx.msk [tilespmem:v0+s10+$0x0], $0xffff  }
0x11f: {  	v19 =	vand.u32 $0x7F, v21;
	v21 =	vor.u32 $0x380, v3;
	v2 =	vand.u32 $0xFFFFFC00, v2;
	v20 =	vld.idx.msk [tilespmem:v5+s10+$0x0], $0xffff;
	[tilespmem:s21+$0xFFFFFFD0] =	vst v6  }
0x120: {  	v2 =	vor.u32 v19, v2;
	[tilespmem:s21+$0xFFFFFF90] =	vst v12;
	v12 =	vld.idx.msk [tilespmem:v13+s10+$0x0], $0xffff  }
0x121: {  	v22 =	vor.u32 $0x80, v0;
	v3 =	vshll.u32 v18, $0x3;
	v19 =	vor.u32 $0x80, v5;
	v13 =	vld.idx.msk [tilespmem:v1+s10+$0x0], $0xffff;
	[tilespmem:s21+$0xFFFFFFA0] =	vst v9  }
0x122: {  	v3 =	vand.u32 $0xFFFFFC00, v3;
	v6 =	vand.u32 $0x7F, v18;
	v18 =	vshll.u32 v11, $0x3;
	v9 =	vld.idx.msk [tilespmem:v4+s10+$0x0], $0xffff;
	[tilespmem:s21+$0x0] =	vst v15  }
0x123: {  	v11 =	vand.u32 $0x7F, v11;
	v3 =	vor.u32 v6, v3;
	v6 =	vand.u32 $0xFFFFFC00, v18;
	v10 =	vld.idx.msk [tilespmem:v10+s10+$0x0], $0xffff;
	[tilespmem:s21+$0xFFFFFF40] =	vst v16  }
0x124: {  	v6 =	vor.u32 v11, v6;
	v15 =	vor.u32 $0x80, v4;
	[tilespmem:s25+$0xFFFFFC80] =	vst v17;
	v11 =	vld.idx.msk [tilespmem:v21+s10+$0x0], $0xffff  }
0x125: {  	v17 =	vor.u32 $0x100, v8;
	v16 =	vld.idx.msk [tilespmem:v2+s10+$0x0], $0xffff;
	[tilespmem:s25+$0xFFFFFC60] =	vst v20  }
0x126: {  	v18 =	vld.idx.msk [tilespmem:v22+s10+$0x0], $0xffff;
	[tilespmem:s21+$0xFFFFFFB0] =	vst v12  }
0x127: {  	v12 =	vor.u32 $0x80, v2;
	[tilespmem:s25+$0xFFFFFC20] =	vst v13;
	v13 =	vld.idx.msk [tilespmem:v19+s10+$0x0], $0xffff  }
0x128: {  	v19 =	vor.u32 $0x100, v0;
	[tilespmem:s25+$0xFFFFFC10] =	vst v9;
	v9 =	vld.idx.msk [tilespmem:v3+s10+$0x0], $0xffff  }
0x129: {  	v20 =	vld.idx.msk [tilespmem:v6+s10+$0x0], $0xffff;
	[tilespmem:s25+$0xFFFFFCF0] =	vst v10  }
0x12a: {  	v10 =	vor.u32 $0x80, v3;
	v17 =	vld.idx.msk [tilespmem:v17+s10+$0x0], $0xffff;
	[tilespmem:s21+$0xFFFFFFC0] =	vst v11;
	s21 =	smov.u32 s25  }
0x12b: {  	v11 =	vld.idx.msk [tilespmem:v15+s10+$0x0], $0xffff;
	[tilespmem:s25+$0xFFFFFC30] =	vst v16;
	v15 =	vor.u32 $0x80, v6  }
0x12c: {  	v16 =	vor.u32 $0x180, v8;
	v14 =	vld.idx.msk [tilespmem:v14+s10+$0x0], $0xffff;
	[tilespmem:s25+$0xFFFFFD00] =	vst v18  }
0x12d: {  	v18 =	vor.u32 $0x100, v4;
	[tilespmem:s25+$0xFFFFFCE0] =	vst v13;
	v13 =	vld.idx.msk [tilespmem:v19+s10+$0x0], $0xffff  }
0x12e: {  	v19 =	vor.u32 $0x100, v1;
	v12 =	vld.idx.msk [tilespmem:v12+s10+$0x0], $0xffff;
	[tilespmem:s25+$0xFFFFFC40] =	vst v9  }
0x12f: {  	v9 =	vld.idx.msk [tilespmem:v10+s10+$0x0], $0xffff;
	[tilespmem:s25+$0xFFFFFC50] =	vst v20;
	v10 =	vor.u32 $0x100, v5  }
0x130: {  	v20 =	vor.u32 $0x100, v2;
	v15 =	vld.idx.msk [tilespmem:v15+s10+$0x0], $0xffff;
	[tilespmem:s25+$0xFFFFFD70] =	vst v17  }
0x131: {  	[tilespmem:s25+$0xFFFFFC90] =	vst v11;
	v11 =	vld.idx.msk [tilespmem:v16+s10+$0x0], $0xffff;
	v16 =	vor.u32 $0x180, v0  }
0x132: {  	v17 =	vld.idx.msk [tilespmem:v18+s10+$0x0], $0xffff;
	[tilespmem:s25+$0xFFFFFCA0] =	vst v14;
	v14 =	vor.u32 $0x100, v6  }
0x133: {  	v18 =	vld.idx.msk [tilespmem:v19+s10+$0x0], $0xffff;
	v19 =	vor.u32 $0x200, v8  }
0x134: {  	[tilespmem:s25+$0xFFFFFCB0] =	vst v12;
	v12 =	vor.u32 $0x100, v3;
	v10 =	vld.idx.msk [tilespmem:v10+s10+$0x0], $0xffff  }
0x135: {  	v21 =	vor.u32 $0x180, v4;
	v20 =	vld.idx.msk [tilespmem:v20+s10+$0x0], $0xffff;
	[tilespmem:s25+$0xFFFFFD80] =	vst v13  }
0x136: {  	v13 =	vor.u32 $0x180, v5;
	[tilespmem:s25+$0xFFFFFCD0] =	vst v15;
	v15 =	vld.idx.msk [tilespmem:v16+s10+$0x0], $0xffff  }
0x137: {  	v16 =	vor.u32 $0x180, v2;
	v14 =	vld.idx.msk [tilespmem:v14+s10+$0x0], $0xffff;
	[tilespmem:s25+$0xFFFFFDF0] =	vst v11  }
0x138: {  	v11 =	vor.u32 $0x200, v0;
	[tilespmem:s25+$0xFFFFFCC0] =	vst v9;
	v9 =	vld.idx.msk [tilespmem:v19+s10+$0x0], $0xffff  }
0x139: {  	[tilespmem:s25+$0xFFFFFD10] =	vst v17;
	v12 =	vld.idx.msk [tilespmem:v12+s10+$0x0], $0xffff;
	v17 =	vor.u32 $0x180, v6  }
0x13a: {  	v19 =	vld.idx.msk [tilespmem:v21+s10+$0x0], $0xffff;
	[tilespmem:s25+$0xFFFFFD60] =	vst v10;
	v10 =	vor.u32 $0x280, v8  }
0x13b: {  	v21 =	vor.u32 $0x180, v1;
	[tilespmem:s25+$0xFFFFFD30] =	vst v20;
	v13 =	vld.idx.msk [tilespmem:v13+s10+$0x0], $0xffff  }
0x13c: {  	v20 =	vor.u32 $0x200, v4;
	v16 =	vld.idx.msk [tilespmem:v16+s10+$0x0], $0xffff;
	[tilespmem:s25+$0xFFFFFE00] =	vst v15  }
0x13d: {  	[tilespmem:s25+$0xFFFFFD50] =	vst v14;
	v14 =	vor.u32 $0x200, v5;
	v11 =	vld.idx.msk [tilespmem:v11+s10+$0x0], $0xffff  }
0x13e: {  	v15 =	vor.u32 $0x200, v2;
	v17 =	vld.idx.msk [tilespmem:v17+s10+$0x0], $0xffff;
	[tilespmem:s25+$0xFFFFFE70] =	vst v9  }
0x13f: {  	[tilespmem:s25+$0xFFFFFD20] =	vst v18;
	v9 =	vld.idx.msk [tilespmem:v10+s10+$0x0], $0xffff;
	v10 =	vor.u32 $0x280, v0  }
0x140: {  	[tilespmem:s25+$0xFFFFFD90] =	vst v19;
	v18 =	vld.idx.msk [tilespmem:v21+s10+$0x0], $0xffff;
	v19 =	vor.u32 $0x200, v6  }
0x141: {  	v20 =	vld.idx.msk [tilespmem:v20+s10+$0x0], $0xffff;
	[tilespmem:s25+$0xFFFFFDE0] =	vst v13;
	v13 =	vor.u32 $0x300, v8  }
0x142: {  	v21 =	vor.u32 $0x200, v1;
	[tilespmem:s25+$0xFFFFFDB0] =	vst v16;
	v14 =	vld.idx.msk [tilespmem:v14+s10+$0x0], $0xffff  }
0x143: {  	v16 =	vor.u32 $0x280, v4;
	v15 =	vld.idx.msk [tilespmem:v15+s10+$0x0], $0xffff;
	[tilespmem:s25+$0xFFFFFE80] =	vst v11  }
0x144: {  	v11 =	vor.u32 $0x280, v5;
	[tilespmem:s25+$0xFFFFFDD0] =	vst v17;
	v10 =	vld.idx.msk [tilespmem:v10+s10+$0x0], $0xffff  }
0x145: {  	v17 =	vor.u32 $0x280, v2;
	v19 =	vld.idx.msk [tilespmem:v19+s10+$0x0], $0xffff;
	[tilespmem:s25+$0xFFFFFEF0] =	vst v9  }
0x146: {  	v22 =	vor.u32 $0x300, v0;
	[tilespmem:s25+$0xFFFFFDA0] =	vst v18;
	v18 =	vld.idx.msk [tilespmem:v13+s10+$0x0], $0xffff  }
0x147: {  	[tilespmem:s25+$0xFFFFFE10] =	vst v20;
	v20 =	vld.idx.msk [tilespmem:v21+s10+$0x0], $0xffff;
	v21 =	vor.u32 $0x280, v6  }
0x148: {  	v23 =	vor.u32 $0x180, v3;
	v8 =	vor.u32 $0x380, v8;
	v9 =	vld.idx.msk [tilespmem:v16+s10+$0x0], $0xffff;
	[tilespmem:s25+$0xFFFFFE60] =	vst v14  }
0x149: {  	[tilespmem:s25+$0xFFFFFE30] =	vst v15;
	v24 =	vld.idx.msk [tilespmem:v11+s10+$0x0], $0xffff  }
0x14a: {  	v25 =	vor.u32 $0x280, v1;
	v13 =	vld.idx.msk [tilespmem:v17+s10+$0x0], $0xffff;
	[tilespmem:s25+$0xFFFFFF00] =	vst v10  }
.Ltmp6:
0x14b: {  	v16 =	vor.u32 $0x300, v5;
	[tilespmem:s25+$0xFFFFFE50] =	vst v19;
	v10 =	vld.idx.msk [tilespmem:v22+s10+$0x0], $0xffff;
	(pc) =	sbr.rel @p0 .LBB2_7-.Ltmp6, $4  }
0x14c: {  	v14 =	vor.u32 $0x300, v2;
	v11 =	vld.idx.msk [tilespmem:v21+s10+$0x0], $0xffff;
	[tilespmem:s25+$0xFFFFFF70] =	vst v18  }
0x14d: {  	[tilespmem:s25+$0xFFFFFD40] =	vst v12;
	v8 =	vld.idx.msk [tilespmem:v8+s10+$0x0], $0xffff  }
0x14e: {  	[tilespmem:s25+$0xFFFFFE20] =	vst v20;
	v15 =	vld.idx.msk [tilespmem:v23+s10+$0x0], $0xffff  }
0x14f: {  	s24 =	sadd.s32 $0x80, s24;
	v12 =	vld.idx.msk [tilespmem:v25+s10+$0x0], $0xffff;
	[tilespmem:s25+$0xFFFFFEE0] =	vst v24  }
0x150: {  	v17 =	vor.u32 $0x200, v3;
	_ =	sdelay $0x3  }
0x151: {  	[tilespmem:s21+$0xFFFFFDC0] =	vst v15  }
0x152: {  	v15 =	vld.idx.msk [tilespmem:v17+s10+$0x0], $0xffff  }
0x153: {  	v54 =	vor.u32 $0x280, v3;
	_ =	sdelay $0x1  }
0x154: {  	[tilespmem:s21+$0xFFFFFEB0] =	vst v13  }
0x155: {  	v18 =	vor.u32 $0x300, v6;
	[tilespmem:s21+$0xFFFFFE90] =	vst v9  }
0x156: {  	v55 =	vld.idx.msk [tilespmem:v16+s10+$0x0], $0xffff;
	v56 =	vor.u32 $0x300, v1;
	[tilespmem:s21+$0xFFFFFE40] =	vst v15  }
0x157: {  	[tilespmem:s21+$0xFFFFFF80] =	vst v10;
	v0 =	vor.u32 $0x380, v0;
	v57 =	vld.idx.msk [tilespmem:v54+s10+$0x0], $0xffff  }
0x158: {  	v59 =	vor.u32 $0x300, v3;
	v14 =	vld.idx.msk [tilespmem:v14+s10+$0x0], $0xffff;
	[tilespmem:s21+$0xFFFFFED0] =	vst v11  }
0x159: {  	v5 =	vor.u32 $0x380, v5;
	v7 =	vld.idx.msk [tilespmem:v7+s10+$0x0], $0xffff;
	[tilespmem:s21+$0xFFFFFFF0] =	vst v8  }
0x15a: {  	v4 =	vor.u32 $0x380, v4;
	[tilespmem:s21+$0xFFFFFEA0] =	vst v12;
	v58 =	vld.idx.msk [tilespmem:v18+s10+$0x0], $0xffff  }
0x15b: {  	v2 =	vor.u32 $0x380, v2;
	[tilespmem:s21+$0xFFFFFF60] =	vst v55;
	v9 =	vld.idx.msk [tilespmem:v56+s10+$0x0], $0xffff  }
0x15c: {  	v60 =	vor.u32 $0x380, v6;
	v0 =	vld.idx.msk [tilespmem:v0+s10+$0x0], $0xffff;
	[tilespmem:s21+$0xFFFFFEC0] =	vst v57  }
0x15d: {  	v61 =	vor.u32 $0x380, v1;
	[tilespmem:s21+$0xFFFFFF30] =	vst v14;
	v62 =	vld.idx.msk [tilespmem:v59+s10+$0x0], $0xffff  }
0x15e: {  	v63 =	vor.u32 $0x380, v3;
	v5 =	vld.idx.msk [tilespmem:v5+s10+$0x0], $0xffff;
	[tilespmem:s21+$0xFFFFFF10] =	vst v7  }
0x15f: {  	v4 =	vld.idx.msk [tilespmem:v4+s10+$0x0], $0xffff;
	[tilespmem:s21+$0xFFFFFF50] =	vst v58  }
0x160: {  	v2 =	vld.idx.msk [tilespmem:v2+s10+$0x0], $0xffff;
	[tilespmem:s21+$0xFFFFFF20] =	vst v9  }
0x161: {  	[tilespmem:s21+$0x0] =	vst v0;
	v6 =	vld.idx.msk [tilespmem:v60+s10+$0x0], $0xffff  }
0x162: {  	v1 =	vld.idx.msk [tilespmem:v61+s10+$0x0], $0xffff;
	[tilespmem:s21+$0xFFFFFF40] =	vst v62  }
0x163: {  	s17 =	sadd.s32 $0x1, s17;
	[tilespmem:s21+$0xFFFFFFE0] =	vst v5;
	v3 =	vld.idx.msk [tilespmem:v63+s10+$0x0], $0xffff  }
0x164: {  	p0 =	sne.s32 s17, $0x19;
	[tilespmem:s21+$0xFFFFFF90] =	vst v4  }
.Ltmp7:
0x165: {  	s22 =	sshll.u32 s22, $0xD;
	[tilespmem:s21+$0xFFFFFFB0] =	vst v2;
	(pc) =	sbr.rel @p0 .LBB2_4-.Ltmp7, $4  }
0x166: {  	s22 =	sadd.s32 s18, s22;
	[tilespmem:s21+$0xFFFFFFD0] =	vst v6  }
0x167: {  	s22 =	sshrl.u32 s22, $0x3;
	[tilespmem:s21+$0xFFFFFFA0] =	vst v1  }
0x168: {  	s19 =	sadd.s32 $0x800, s19;
	s20 =	sadd.s32 $0x800, s20;
	s31 =	sadd.s32 s1, s22;
	[tilespmem:s21+$0xFFFFFFC0] =	vst v3  }
0x169: {  	[hbm4b:s31+s2] =	stream.linear.scatter [tilespmem:s12], [sflag:$0x2], $0x2000, $0x38;
	[tilespmem:$0x12800] =	vst v63  }
0x16a: {  	_ =	swait.ge [sflag:s13], $0x2000  }
.Ltmp8:
0x16b: {  	[sflag:s13] =	ssyncset.done $0x0;
	(pc) =	sbr.rel .LBB2_10-.Ltmp8, $4  }
0x16c: {  	[sflag:s13] =	ssyncadd.s32 $0xFFFFE000  }
0x16d: {  	_ =	swait.ge [sflag:s14], $0x2000  }
0x16e: {  	[sflag:s14] =	ssyncset.done $0x0  }
0x16f: {  	[sflag:s14] =	ssyncadd.s32 $0xFFFFE000  }
.LBB2_12:
0x170: {  	_ =	sfence.sel $0x180000  }
0x171: {  	[bflag:$0x0] =	sbarrier.arrive $0xFFFF  }
0x172: {  	p0 =	sne.s32 s4, $0x0;
	_ =	strace $0x9000004A  }
0x173: {  	s0 =	sadd.s32 @!p0 $0x100000, s0;
	[bflag:$0x2] =	sbarrier.arrive $0xFFFF  }
0x174: {  	[sflag:s0] =	ssyncadd.tile.s32 @!p0 $0x1;
	_ =	shalt  }
.Lfunc_end2:
_tile_overlayer_lowered:
.L_overlay_start_2:
0x175: {  	(tag) =	ssettag $0x2  }
0x176: {  	s0 =	rddreg [dreg:$0x0];
	s2 =	stileid.u32  }
0x177: {  	s1 =	rddreg [dreg:$0x1];
	p0 =	sne.s32 s2, $0x0  }
0x178: {  	s3 =	rddreg [dreg:$0x2];
	[bflag:$0x3] =	sbarrier.arrive $0xFFFF;
	s2 =	simm.s32 @!p0 $0x1C03  }
0x179: {  	[timem:s3], [sflag:s2] =	dma.local @!p0 [hbm:s0], s1  }
0x17a: {  	s0 =	simm.s32 @!p0 $0x3  }
0x17b: {  	_ =	swait.ge @!p0 [sflag:s0], s1  }
0x17c: {  	s1 =	ssub.s32 @!p0 $0x0, s1;
	[sflag:s0] =	ssyncset.done @!p0 $0x0  }
0x17d: {  	[sflag:s0] =	ssyncadd.s32 @!p0 s1  }
0x17e: {  	[bflag:$0x3] =	sbarrier.arrive $0xFFFF  }
0x17f: {  	_ =	shalt  }

// kernel: kernel.9.cloned.1.call-start
scs
__scs_entry_jumppad:
0x0: {  	(pc) =	sbr.rel $0x88, $3  }
0x1: {  	(tag) =	ssettag $0x0;
	lr =	simm.s32 $0x1  }
0x2: {  	[smem:$0x3F9E] =	sst lr;
	_ =	strace $0xD0000000  }
0x3: {  	_ = 	snop  }
0x4: {  	_ = 	snop  }
0x5: {  	_ = 	snop  }
0x6: {  	_ = 	snop  }
0x7: {  	_ = 	snop  }
__scs_overlays_trampoline_lowered:
0x8: {  	[smem:$0x3FAD] =	sst s0  }
0x9: {  	[smem:$0x3FAE] =	sst s1  }
0xa: {  	[smem:$0x3FAF] =	sst s2  }
0xb: {  	[smem:$0x3FB0] =	sst s3  }
0xc: {  	[smem:$0x3FB1] =	sst s4  }
0xd: {  	[smem:$0x3FB2] =	sst s5  }
0xe: {  	[smem:$0x3FB3] =	sst s6  }
0xf: {  	[smem:$0x3FB4] =	sst s7  }
0x10: {  	[smem:$0x3FB5] =	sst s8  }
0x11: {  	[smem:$0x3FB6] =	sst s9;
	s0 =	simm.s32 @!p0 $0x0  }
0x12: {  	s1 =	sld [smem:$0x3F9C];
	s0 =	simm.s32 @p0 $0x1  }
0x13: {  	[smem:$0x3FB7] =	sst s0;
	s0 =	simm.s32 @!p1 $0x0  }
0x14: {  	s2 =	sld [smem:$0x3F9B];
	s0 =	simm.s32 @p1 $0x1  }
0x15: {  	[smem:$0x3FB8] =	sst s0;
	s0 =	simm.s32 @!p2 $0x0  }
0x16: {  	s3 =	sld [smem:$0x3FDB];
	s0 =	simm.s32 @p2 $0x1  }
0x17: {  	s4 =	simm.s32 $0x1BF5;
	[smem:$0x3FBA] =	sst s0  }
0x18: {  	s0 =	sld [smem:$0x3F9D];
	_ =	swait.ge [sflag:s4], $0x0  }
0x19: {  	s7 =	sld [smem:$0x3F9E]  }
0x1a: {  	s8 =	sadd.s32 $0xFFFFE003, lr  }
0x1b: {  	s9 =	sadd.s32 $0xFFFFFEF7, lr;
	s5 =	simm.s32 $0xFFFFFFFF;
	p2 =	slt.u32 s8, $0xFFFFF086  }
0x1c: {  	p1 =	slt.u32 s9, $0xF7A;
	s5 =	simm.s32 @!p2 $0x0  }
0x1d: {  	s5 =	simm.s32 @p1 $0x1;
	p0 =	seq.s32 s7, s2  }
0x1e: {  	s7 =	smul.u32 @!p0 $0xF7A, s2;
	p2 =	seq.s32 @!p0 s5, $0x0  }
0x1f: {  	s9 =	smul.u32 $0xF7A, s1;
	s8 =	simm.s32 @!p0 $0x1BF5;
	p2 =	por !p2, p0  }
0x20: {  	[sflag:s8] =	ssyncset.s32 @!p0 $0xFFFFF086;
	s6 =	sadd.s32 @!p0 s3, s7;
	s7 =	simm.s32 @!p0 $0x108  }
0x21: {  	s3 =	sadd.s32 s3, s9;
	s6 =	sadd.s32 @!p0 $0x88, s6;
	s7 =	simm.s32 @p2 $0x1082  }
0x22: {  	[simem:s7], [sflag:s8] =	dma.local @!p0 [hbm:s6], $0xF7A  }
0x23: {  	s9 =	sor.u32 $0xD0000000, s2;
	s6 =	simm.s32 $0x108;
	_ =	swait.ge @!p0 [sflag:s8], $0x0  }
0x24: {  	s3 =	sadd.s32 $0x88, s3;
	s6 =	simm.s32 @!p1 $0x1082;
	[sflag:s4] =	ssyncset.s32 $0xFFFFF086  }
0x25: {  	[simem:s6], [sflag:s4] =	dma.local [hbm:s3], $0xF7A  }
0x26: {  	[smem:$0x3F9E] =	sst s1;
	(tag) =	ssettag s2;
	_ =	strace s9  }
0x27: {  	s1 =	sld [smem:$0x3FAE]  }
0x28: {  	s2 =	sld [smem:$0x3FAF]  }
0x29: {  	s4 =	sld [smem:$0x3FB1]  }
0x2a: {  	p0 =	seq.s32 s5, $0x0;
	s5 =	sld [smem:$0x3FB2]  }
0x2b: {  	s6 =	sld [smem:$0x3FB3]  }
0x2c: {  	s7 =	sld [smem:$0x3FB4]  }
0x2d: {  	s3 =	simm.s32 $0x108;
	s8 =	sld [smem:$0x3FB5]  }
0x2e: {  	s3 =	simm.s32 @!p0 $0x1082;
	s9 =	sld [smem:$0x3FB6]  }
0x2f: {  	lr =	sadd.s32 s0, s3;
	s0 =	sld [smem:$0x3FAD]  }
0x30: {  	s3 =	sld [smem:$0x3FB0]  }
0x31: {  	[smem:$0x3FB9] =	sst s10  }
0x32: {  	s10 =	sld [smem:$0x3FB7];
	_ =	sdelay $0x3  }
0x33: {  	p0 =	seq.s32 s10, $0x1;
	s10 =	sld [smem:$0x3FB9];
	_ =	sdelay $0x3  }
0x34: {  	[smem:$0x3FB9] =	sst s10  }
0x35: {  	s10 =	sld [smem:$0x3FB8];
	_ =	sdelay $0x3  }
0x36: {  	p1 =	seq.s32 s10, $0x1;
	s10 =	sld [smem:$0x3FB9];
	_ =	sdelay $0x3  }
0x37: {  	[smem:$0x3FB9] =	sst s10  }
0x38: {  	s10 =	sld [smem:$0x3FBA]  }
0x39: {  	_ = 	snop;
	(pc) =	sbr.ind lr, $3  }
0x3a: {  	_ = 	snop  }
0x3b: {  	_ = 	snop  }
0x3c: {  	p2 =	seq.s32 s10, $0x1;
	s10 =	sld [smem:$0x3FB9]  }
0x3d: {  	_ =	shalt  }
0x3e: {  	_ =	shalt  }
0x3f: {  	_ =	shalt  }
0x40: {  	_ =	shalt  }
0x41: {  	_ =	shalt  }
0x42: {  	_ =	shalt  }
0x43: {  	_ =	shalt  }
0x44: {  	_ =	shalt  }
0x45: {  	_ =	shalt  }
0x46: {  	_ =	shalt  }
0x47: {  	_ =	shalt  }
0x48: {  	_ =	shalt  }
0x49: {  	_ =	shalt  }
0x4a: {  	_ =	shalt  }
0x4b: {  	_ =	shalt  }
0x4c: {  	_ =	shalt  }
0x4d: {  	_ =	shalt  }
0x4e: {  	_ =	shalt  }
0x4f: {  	_ =	shalt  }
0x50: {  	_ =	shalt  }
0x51: {  	_ =	shalt  }
0x52: {  	_ =	shalt  }
0x53: {  	_ =	shalt  }
0x54: {  	_ =	shalt  }
0x55: {  	_ =	shalt  }
0x56: {  	_ =	shalt  }
0x57: {  	_ =	shalt  }
0x58: {  	_ =	shalt  }
0x59: {  	_ =	shalt  }
0x5a: {  	_ =	shalt  }
0x5b: {  	_ =	shalt  }
0x5c: {  	_ =	shalt  }
0x5d: {  	_ =	shalt  }
0x5e: {  	_ =	shalt  }
0x5f: {  	_ =	shalt  }
0x60: {  	_ =	shalt  }
0x61: {  	_ =	shalt  }
0x62: {  	_ =	shalt  }
0x63: {  	_ =	shalt  }
0x64: {  	_ =	shalt  }
0x65: {  	_ =	shalt  }
0x66: {  	_ =	shalt  }
0x67: {  	_ =	shalt  }
0x68: {  	_ =	shalt  }
0x69: {  	_ =	shalt  }
0x6a: {  	_ =	shalt  }
0x6b: {  	_ =	shalt  }
0x6c: {  	_ =	shalt  }
0x6d: {  	_ =	shalt  }
0x6e: {  	_ =	shalt  }
0x6f: {  	_ =	shalt  }
0x70: {  	_ =	shalt  }
0x71: {  	_ =	shalt  }
0x72: {  	_ =	shalt  }
0x73: {  	_ =	shalt  }
0x74: {  	_ =	shalt  }
0x75: {  	_ =	shalt  }
0x76: {  	_ =	shalt  }
0x77: {  	_ =	shalt  }
0x78: {  	_ =	shalt  }
0x79: {  	_ =	shalt  }
0x7a: {  	_ =	shalt  }
0x7b: {  	_ =	shalt  }
0x7c: {  	_ =	shalt  }
0x7d: {  	_ =	shalt  }
0x7e: {  	_ =	shalt  }
0x7f: {  	_ =	shalt  }
0x80: {  	_ =	shalt  }
0x81: {  	_ =	shalt  }
0x82: {  	_ =	shalt  }
0x83: {  	_ =	shalt  }
0x84: {  	_ =	shalt  }
0x85: {  	_ =	shalt  }
0x86: {  	_ =	shalt  }
0x87: {  	_ =	shalt  }
.Lfunc_end0:
.L_simem_size_0:
called_computation.1_lowered:
.L_overlay_start_0:
0x88: {  	s2 =	sld [smem:$0x3FD9]  }
0x89: {  	s3 =	sld [smem:$0x3FFE];
	_ =	sdelay $0x1  }
0x8a: {  	s1 =	srdreg.scid  }
0x8b: {  	s0 =	sand.u32 $0x1, s1  }
0x8c: {  	s16 =	sshll.u32 s0, $0xA;
	s2 =	sadd.s32 s3, s2  }
0x8d: {  	s2 =	sadd.s32 s2, s16  }
0x8e: {  	[smem:$0x3FC5] =	sst s2  }
0x8f: {  	_ = 	snop  }
0x90: {  	(tm) =	ssettm $0x1  }
0x91: {  	s17 =	sld [smem:$0x3FFB];
	_ =	sdelay $0x3  }
0x92: {  	_ =	strace s17  }
0x93: {  	s2 =	sld [smem:$0x3FFC];
	_ =	sdelay $0x3  }
0x94: {  	_ =	strace s2  }
0x95: {  	s2 =	sld [smem:$0x3FFD];
	_ =	sdelay $0x3  }
0x96: {  	_ =	strace s2  }
0x97: {  	_ =	strace $0x8FFFFFFF  }
0x98: {  	s18 =	sld [smem:$0x3FDB];
	_ =	sdelay $0x1  }
0x99: {  	s19 =	simm.s32 $_scs_section_size  }
0x9a: {  	s4 =	simm.s32 $_size__tile_overlayer_lowered;
	s5 =	simm.s32 $_tile_overlayer_lowered  }
0x9b: {  	s22 =	simm.s32 $0x1BFF;
	s21 =	sshll.u32 s5, $0x1;
	s2 =	sadd.s32 s19, s18  }
0x9c: {  	s6 =	simm.s32 $0x0;
	s20 =	sshll.u32 s4, $0x1;
	s4 =	sadd.s32 s21, s2  }
0x9d: {  	[timem:s6], [sflag:s22] =	dma.local [hbm:s4], s20  }
0x9e: {  	_ =	swait.ge [sflag:s22], s20  }
0x9f: {  	s3 =	ssub.s32 $0x0, s20;
	[sflag:s22] =	ssyncset.done $0x0  }
0xa0: {  	[sflag:s22] =	ssyncadd.s32 s3;
	_ =	sdelay $0x1  }
0xa1: {  	s23 =	simm.s32 $0x1B8B  }
0xa2: {  	_ =	swait.ge [sflag:s23], $0x1  }
0xa3: {  	[sflag:s23] =	ssyncset.done $0x0  }
0xa4: {  	s25 =	simm.s32 $0x1B8E;
	s24 =	sld [smem:$0x3FFE];
	[sflag:s23] =	ssyncadd.s32 $0xFFFFFFFF  }
0xa5: {  	s26 =	simm.s32 $execute0_lowered;
	[smem:$0x3FD2] =	sst s25  }
0xa6: {  	s4 =	sshll.u32 s26, $0x1;
	_ =	strace $0x80000046;
	[dreg:$0x1] =	wrdreg $0xFFFFFFFF  }
0xa7: {  	s28 =	simm.s32 $_size_execute0_lowered;
	s2 =	sadd.s32 s2, s4;
	[dreg:$0x0] =	wrdreg $0x0  }
0xa8: {  	s4 =	sshll.u32 s28, $0x1;
	[dreg:$0x2] =	wrdreg s2  }
0xa9: {  	[dreg:$0x3] =	wrdreg s4  }
0xaa: {  	[dreg:$0x4] =	wrdreg $0xC0  }
0xab: {  	_ =	task [dreg:s6], $0x5FFFF  }
0xac: {  	[dreg:$0x1] =	wrdreg $0xFFFFFFFF  }
0xad: {  	[dreg:$0x0] =	wrdreg $0x60  }
0xae: {  	[dreg:$0x2] =	wrdreg s24  }
0xaf: {  	[dreg:$0x3] =	wrdreg $0xA  }
0xb0: {  	_ =	task.clear_ibuf [dreg:s6], $0x4FFFF;
	_ =	strace $0x90000046  }
0xb1: {  	s29 =	simm.s32 $0xA;
	_ =	strace $0x80000048  }
0xb2: {  	_ =	swait.ge [sflag:s29], $0x1  }
0xb3: {  	[sflag:s29] =	ssyncadd.s32 $0xFFFFFFFF  }
0xb4: {  	_ =	strace $0x90000048  }
0xb5: {  	_ =	sfence  }
0xb6: {  	s30 =	sld [smem:$0x0];
	_ =	sdelay $0x2  }
0xb7: {  	s31 =	sshll.u32 s1, $0xD;
	s1 =	sshrl.u32 s1, $0x2  }
0xb8: {  	s3 =	sand.u32 $0x4000, s31;
	s1 =	sadd.s32 s1, s30  }
0xb9: {  	s0 =	sor.u32 s3, s0;
	s1 =	sshll.u32 s1, $0x11  }
0xba: {  	s0 =	sor.u32 s1, s0  }
0xbb: {  	s0 =	sadd.s32 $0x8F2B, s0  }
0xbc: {  	[sflag:s0] =	ssyncadd.remote.s32 $0x1  }
0xbd: {  	_ =	sfence.sel $0xFFFF  }
0xbe: {  	[dreg:$0x0] =	wrdreg $0xFFFFFFFF;
	(pc) =	sbr.abs _section_cstart, $3  }
0xbf: {  	[dreg:$0x1] =	wrdreg $0xFFFFFFFF  }
0xc0: {  	_ =	task.clear_ibuf [dreg:s6], $0x2FFFF;
	_ =	strace $0x9FFFFFFF  }
0xc1: {  	(tm) =	ssettm $0x7FFFFFFF  }
tec
execute0_lowered:
.L_overlay_start_1:
0x0: {  	(tag) =	ssettag $0x1  }
0x1: {  	s0 =	srdreg.scid  }
0x2: {  	s2 =	stileid.u32;
	s1 =	rddreg [dreg:$0x0];
	s9 =	simm.s32 $0x2  }
0x3: {  	s11 =	simm.s32 $0x1900;
	s12 =	simm.s32 $0x50;
	s17 =	simm.s32 $0x1680  }
0x4: {  	s18 =	simm.s32 $0x1090;
	s19 =	simm.s32 $0x16D0;
	s20 =	simm.s32 $0x10E0  }
0x5: {  	s21 =	simm.s32 $0x1720;
	s22 =	simm.s32 $0x1130;
	s23 =	simm.s32 $0x1770  }
0x6: {  	s24 =	simm.s32 $0x1180;
	s25 =	simm.s32 $0x17C0;
	s28 =	simm.s32 $0x1810  }
0x7: {  	s29 =	simm.s32 $0x1220;
	s30 =	simm.s32 $0x1860;
	s31 =	simm.s32 $0x1270  }
0x8: {  	s10 =	simm.s32 $0x1D00;
	s0 =	sand.u32 $0x1, s0;
	s3 =	sshll.u32 s2, $0x1  }
0x9: {  	s13 =	simm.s32 $0x0;
	s2 =	simm.s32 $0x0;
	s4 =	sor.u32 s0, s3  }
0xa: {  	[smem:$0x7FF] =	sst s2;
	s3 =	sadd.s32 $0xE00, s1;
	s0 =	ssub.s32 $0x2, s0  }
0xb: {  	s5 =	smul.u32 $0xC8, s4;
	_ =	strace $0x80000047;
	s7 =	sshrl.u32 s0, $0x1  }
0xc: {  	s26 =	sshll.u32 s4, $0x1;
	s4 =	sadd.s32 $0x22C00, s1;
	s0 =	ssub.s32 s0, s7  }
0xd: {  	s6 =	sadd.s32 s5, s1;
	s1 =	sadd.s32 s26, s1;
	s8 =	smax.u32 s0, $0x1  }
0xe: {  	s26 =	simm.s32 $0x11D0;
	s0 =	simm.s32 $0x1;
	s5 =	sadd.s32 $0x1F800, s6  }
0xf: {  	s6 =	sadd.s32 $0x21200, s6;
	s7 =	sadd.s32 $0x22E00, s1;
	s1 =	simm.s32 $0x18B0  }
.LBB2_1:
0x10: {  	[tilespmem:s2], [sflag:$0x2] =	stream.linear.gather [hbm4b:s5+s2], $0x640, $0x38;
	[tilespmem:$0x1D10] =	vst v63  }
0x11: {  	_ =	swait.ge [sflag:s9], $0x640  }
0x12: {  	[sflag:s9] =	ssyncset.done $0x0  }
0x13: {  	s14 =	simm.s32 $0x640;
	[sflag:s9] =	ssyncadd.s32 $0xFFFFF9C0  }
0x14: {  	[tilespmem:s14], [sflag:$0x2] =	stream.linear.gather [hbm4b:s6+s2], $0x640, $0x38;
	[tilespmem:$0x1D10] =	vst v63  }
0x15: {  	_ =	swait.ge [sflag:s9], $0x640  }
0x16: {  	[sflag:s9] =	ssyncset.done $0x0  }
0x17: {  	[sflag:s9] =	ssyncadd.s32 $0xFFFFF9C0  }
0x18: {  	[tilespmem:s11], [sflag:$0x2] =	stream.linear.gather [hbm4b:s4+s2], $0x400, $0x38;
	[tilespmem:$0x1D10] =	vst v63  }
0x19: {  	_ =	swait.ge [sflag:s9], $0x400  }
0x1a: {  	[sflag:s9] =	ssyncset.done $0x0  }
0x1b: {  	s14 =	simm.s32 $0x0;
	[sflag:s9] =	ssyncadd.s32 $0xFFFFFC00  }
0x1c: {  	v0 =	vld [tilespmem:s14+$0x0]  }
0x1d: {  	s15 =	simm.s32 $0x40;
	v1 =	vld [tilespmem:s14+$0x640]  }
.LBB2_2:
0x1e: {  	_ = 	snop  }
0x1f: {  	p0 =	sne.s32 s15, $0x18C0  }
.Ltmp0:
0x20: {  	_ = 	snop;
	(pc) =	sbr.rel @p0 .LBB2_2-.Ltmp0, $4  }
0x21: {  	v2 =	vmul.u32 $0x3E8, v0  }
0x22: {  	s16 =	sshra.s32 s15, $0x2  }
0x23: {  	v0 =	vld [tilespmem:s16+$0x0];
	v2 =	vadd.s32 v1, v2  }
0x24: {  	s15 =	sadd.s32 $0x40, s15;
	v1 =	vld [tilespmem:s16+$0x640];
	[tilespmem:s14+$0xC80] =	vst v2;
	s14 =	smov.u32 s16  }
0x25: {  	_ =	sdelay $0x2  }
0x26: {  	v0 =	vmul.u32 $0x3E8, v0;
	_ =	sdelay $0x1  }
0x27: {  	v0 =	vadd.s32 v1, v0  }
0x28: {  	s16 =	simm.s32 $0xC80;
	s15 =	simm.s32 $0x12C0;
	[tilespmem:s14+$0xC80] =	vst v0  }
0x29: {  	[tilespmem:s15], [sflag:$0x1] =	stream.indirect.gather [hbm4b:s3+s12], $0x1, s16, s12, $0xb8;
	[tilespmem:$0x1D10] =	vst v63  }
0x2a: {  	s15 =	simm.s32 $0xCD0;
	s16 =	simm.s32 $0x1310  }
0x2b: {  	[tilespmem:s16], [sflag:$0x1] =	stream.indirect.gather [hbm4b:s3+s12], $0x1, s15, s12, $0xb8;
	[tilespmem:$0x1D10] =	vst v63  }
0x2c: {  	s15 =	simm.s32 $0xD20;
	s16 =	simm.s32 $0x1360  }
0x2d: {  	[tilespmem:s16], [sflag:$0x1] =	stream.indirect.gather [hbm4b:s3+s12], $0x1, s15, s12, $0xb8;
	[tilespmem:$0x1D10] =	vst v63  }
0x2e: {  	s15 =	simm.s32 $0xD70;
	s16 =	simm.s32 $0x13B0  }
0x2f: {  	[tilespmem:s16], [sflag:$0x1] =	stream.indirect.gather [hbm4b:s3+s12], $0x1, s15, s12, $0xb8;
	[tilespmem:$0x1D10] =	vst v63  }
0x30: {  	s15 =	simm.s32 $0xDC0;
	s16 =	simm.s32 $0x1400  }
0x31: {  	[tilespmem:s16], [sflag:$0x1] =	stream.indirect.gather [hbm4b:s3+s12], $0x1, s15, s12, $0xb8;
	[tilespmem:$0x1D10] =	vst v63  }
0x32: {  	s15 =	simm.s32 $0xE10;
	s16 =	simm.s32 $0x1450  }
0x33: {  	[tilespmem:s16], [sflag:$0x1] =	stream.indirect.gather [hbm4b:s3+s12], $0x1, s15, s12, $0xb8;
	[tilespmem:$0x1D10] =	vst v63  }
0x34: {  	s15 =	simm.s32 $0xE60;
	s16 =	simm.s32 $0x14A0  }
0x35: {  	[tilespmem:s16], [sflag:$0x1] =	stream.indirect.gather [hbm4b:s3+s12], $0x1, s15, s12, $0xb8;
	[tilespmem:$0x1D10] =	vst v63  }
0x36: {  	s15 =	simm.s32 $0xEB0;
	s16 =	simm.s32 $0x14F0  }
0x37: {  	[tilespmem:s16], [sflag:$0x1] =	stream.indirect.gather [hbm4b:s3+s12], $0x1, s15, s12, $0xb8;
	[tilespmem:$0x1D10] =	vst v63  }
0x38: {  	s15 =	simm.s32 $0xF00;
	s16 =	simm.s32 $0x1540  }
0x39: {  	[tilespmem:s16], [sflag:$0x1] =	stream.indirect.gather [hbm4b:s3+s12], $0x1, s15, s12, $0xb8;
	[tilespmem:$0x1D10] =	vst v63  }
0x3a: {  	s15 =	simm.s32 $0xF50;
	s16 =	simm.s32 $0x1590  }
0x3b: {  	[tilespmem:s16], [sflag:$0x1] =	stream.indirect.gather [hbm4b:s3+s12], $0x1, s15, s12, $0xb8;
	[tilespmem:$0x1D10] =	vst v63  }
0x3c: {  	s15 =	simm.s32 $0xFA0;
	s16 =	simm.s32 $0x15E0  }
0x3d: {  	[tilespmem:s16], [sflag:$0x1] =	stream.indirect.gather [hbm4b:s3+s12], $0x1, s15, s12, $0xb8;
	[tilespmem:$0x1D10] =	vst v63  }
0x3e: {  	s15 =	simm.s32 $0xFF0;
	s16 =	simm.s32 $0x1630  }
0x3f: {  	[tilespmem:s16], [sflag:$0x1] =	stream.indirect.gather [hbm4b:s3+s12], $0x1, s15, s12, $0xb8;
	[tilespmem:$0x1D10] =	vst v63  }
0x40: {  	s16 =	simm.s32 $0x1040  }
0x41: {  	[tilespmem:s17], [sflag:$0x1] =	stream.indirect.gather [hbm4b:s3+s12], $0x1, s16, s12, $0xb8;
	[tilespmem:$0x1D10] =	vst v63  }
0x42: {  	_ = 	snop  }
0x43: {  	[tilespmem:s19], [sflag:$0x1] =	stream.indirect.gather [hbm4b:s3+s12], $0x1, s18, s12, $0xb8;
	[tilespmem:$0x1D10] =	vst v63  }
0x44: {  	_ = 	snop  }
0x45: {  	[tilespmem:s21], [sflag:$0x1] =	stream.indirect.gather [hbm4b:s3+s12], $0x1, s20, s12, $0xb8;
	[tilespmem:$0x1D10] =	vst v63  }
0x46: {  	_ = 	snop  }
0x47: {  	[tilespmem:s23], [sflag:$0x1] =	stream.indirect.gather [hbm4b:s3+s12], $0x1, s22, s12, $0xb8;
	[tilespmem:$0x1D10] =	vst v63  }
0x48: {  	_ = 	snop  }
0x49: {  	[tilespmem:s25], [sflag:$0x1] =	stream.indirect.gather [hbm4b:s3+s12], $0x1, s24, s12, $0xb8;
	[tilespmem:$0x1D10] =	vst v63  }
0x4a: {  	_ = 	snop  }
0x4b: {  	[tilespmem:s28], [sflag:$0x1] =	stream.indirect.gather [hbm4b:s3+s12], $0x1, s26, s12, $0xb8;
	[tilespmem:$0x1D10] =	vst v63  }
0x4c: {  	_ = 	snop  }
0x4d: {  	[tilespmem:s30], [sflag:$0x1] =	stream.indirect.gather [hbm4b:s3+s12], $0x1, s29, s12, $0xb8;
	[tilespmem:$0x1D10] =	vst v63  }
0x4e: {  	_ = 	snop  }
0x4f: {  	[tilespmem:s1], [sflag:$0x1] =	stream.indirect.gather [hbm4b:s3+s12], $0x1, s31, s12, $0xb8;
	[tilespmem:$0x1D10] =	vst v63  }
0x50: {  	_ =	swait.ge [sflag:s0], $0x50  }
0x51: {  	[sflag:s0] =	ssyncset.done $0x0  }
0x52: {  	[sflag:s0] =	ssyncadd.s32 $0xFFFFFFB0  }
0x53: {  	_ =	swait.ge [sflag:s0], $0x50  }
0x54: {  	[sflag:s0] =	ssyncset.done $0x0  }
0x55: {  	[sflag:s0] =	ssyncadd.s32 $0xFFFFFFB0  }
0x56: {  	_ =	swait.ge [sflag:s0], $0x50  }
0x57: {  	[sflag:s0] =	ssyncset.done $0x0  }
0x58: {  	[sflag:s0] =	ssyncadd.s32 $0xFFFFFFB0  }
0x59: {  	_ =	swait.ge [sflag:s0], $0x50  }
0x5a: {  	[sflag:s0] =	ssyncset.done $0x0  }
0x5b: {  	[sflag:s0] =	ssyncadd.s32 $0xFFFFFFB0  }
0x5c: {  	_ =	swait.ge [sflag:s0], $0x50  }
0x5d: {  	[sflag:s0] =	ssyncset.done $0x0  }
0x5e: {  	[sflag:s0] =	ssyncadd.s32 $0xFFFFFFB0  }
0x5f: {  	_ =	swait.ge [sflag:s0], $0x50  }
0x60: {  	[sflag:s0] =	ssyncset.done $0x0  }
0x61: {  	[sflag:s0] =	ssyncadd.s32 $0xFFFFFFB0  }
0x62: {  	_ =	swait.ge [sflag:s0], $0x50  }
0x63: {  	[sflag:s0] =	ssyncset.done $0x0  }
0x64: {  	[sflag:s0] =	ssyncadd.s32 $0xFFFFFFB0  }
0x65: {  	_ =	swait.ge [sflag:s0], $0x50  }
0x66: {  	[sflag:s0] =	ssyncset.done $0x0  }
0x67: {  	[sflag:s0] =	ssyncadd.s32 $0xFFFFFFB0  }
0x68: {  	_ =	swait.ge [sflag:s0], $0x50  }
0x69: {  	[sflag:s0] =	ssyncset.done $0x0  }
0x6a: {  	[sflag:s0] =	ssyncadd.s32 $0xFFFFFFB0  }
0x6b: {  	_ =	swait.ge [sflag:s0], $0x50  }
0x6c: {  	[sflag:s0] =	ssyncset.done $0x0  }
0x6d: {  	[sflag:s0] =	ssyncadd.s32 $0xFFFFFFB0  }
0x6e: {  	_ =	swait.ge [sflag:s0], $0x50  }
0x6f: {  	[sflag:s0] =	ssyncset.done $0x0  }
0x70: {  	[sflag:s0] =	ssyncadd.s32 $0xFFFFFFB0  }
0x71: {  	_ =	swait.ge [sflag:s0], $0x50  }
0x72: {  	[sflag:s0] =	ssyncset.done $0x0  }
0x73: {  	[sflag:s0] =	ssyncadd.s32 $0xFFFFFFB0  }
0x74: {  	_ =	swait.ge [sflag:s0], $0x50  }
0x75: {  	[sflag:s0] =	ssyncset.done $0x0  }
0x76: {  	[sflag:s0] =	ssyncadd.s32 $0xFFFFFFB0  }
0x77: {  	_ =	swait.ge [sflag:s0], $0x50  }
0x78: {  	[sflag:s0] =	ssyncset.done $0x0  }
0x79: {  	[sflag:s0] =	ssyncadd.s32 $0xFFFFFFB0  }
0x7a: {  	_ =	swait.ge [sflag:s0], $0x50  }
0x7b: {  	[sflag:s0] =	ssyncset.done $0x0  }
0x7c: {  	[sflag:s0] =	ssyncadd.s32 $0xFFFFFFB0  }
0x7d: {  	_ =	swait.ge [sflag:s0], $0x50  }
0x7e: {  	[sflag:s0] =	ssyncset.done $0x0  }
0x7f: {  	[sflag:s0] =	ssyncadd.s32 $0xFFFFFFB0  }
0x80: {  	_ =	swait.ge [sflag:s0], $0x50  }
0x81: {  	[sflag:s0] =	ssyncset.done $0x0  }
0x82: {  	[sflag:s0] =	ssyncadd.s32 $0xFFFFFFB0  }
0x83: {  	_ =	swait.ge [sflag:s0], $0x50  }
0x84: {  	[sflag:s0] =	ssyncset.done $0x0  }
0x85: {  	[sflag:s0] =	ssyncadd.s32 $0xFFFFFFB0  }
0x86: {  	_ =	swait.ge [sflag:s0], $0x50  }
0x87: {  	[sflag:s0] =	ssyncset.done $0x0  }
0x88: {  	[sflag:s0] =	ssyncadd.s32 $0xFFFFFFB0  }
0x89: {  	_ =	swait.ge [sflag:s0], $0x50  }
0x8a: {  	[sflag:s0] =	ssyncset.done $0x0  }
0x8b: {  	v0 =	vimm.f32 $0.0e+00;
	[sflag:s0] =	ssyncadd.s32 $0xFFFFFFB0  }
0x8c: {  	s14 =	simm.s32 $0x40;
	s15 =	simm.s32 $0x0;
	[tilespmem:$0x1D00] =	vst v0  }
.LBB2_4:
0x8d: {  	p0 =	sne.s32 s14, $0x18C0;
	v1 =	vld [tilespmem:s15+$0x0];
	_ =	sdelay $0x7  }
0x8e: {  	v1 =	vld.idx.msk [tilespmem:v1+s11+$0x0], $0xffff  }
0x8f: {  	v2 =	vld [tilespmem:s15+$0x12C0];
	_ =	sdelay $0x4  }
.Ltmp1:
0x90: {  	v1 =	vsub.f32 v1, v2;
	(pc) =	sbr.rel @p0 .LBB2_4-.Ltmp1, $3  }
0x91: {  	_ = 	snop  }
0x92: {  	v0 =	vadd.f32 v1, v0;
	_ =	sdelay $0x1  }
0x93: {  	s15 =	sshra.s32 s14, $0x2;
	s14 =	sadd.s32 $0x40, s14;
	[tilespmem:$0x1D00] =	vst v0  }
0x94: {  	v1 =	vld [tilespmem:s15+$0x0];
	_ =	sdelay $0x6  }
0x95: {  	v2 =	vld [tilespmem:s15+$0x12C0]  }
0x96: {  	v1 =	vld.idx.msk [tilespmem:v1+s11+$0x0], $0xffff;
	_ =	sdelay $0x4  }
0x97: {  	v1 =	vsub.f32 v1, v2;
	_ =	sdelay $0x1  }
0x98: {  	s13 =	sadd.s32 $0x1, s13;
	v0 =	vadd.f32 v1, v0  }
0x99: {  	p0 =	sne.s32 s13, s8  }
.Ltmp2:
0x9a: {  	[tilespmem:$0x1D00] =	vst v0;
	(pc) =	sbr.rel @p0 .LBB2_1-.Ltmp2, $4  }
0x9b: {  	[hbm4b:s7+s2] =	stream.linear.scatter [tilespmem:s10], [sflag:$0x2], $0x10, $0x38;
	[tilespmem:$0x1D10] =	vst v63  }
0x9c: {  	_ =	swait.ge [sflag:s9], $0x10  }
0x9d: {  	[sflag:s9] =	ssyncset.done $0x0  }
0x9e: {  	[sflag:s9] =	ssyncadd.s32 $0xFFFFFFF0  }
0x9f: {  	_ =	sfence.sel $0x180000  }
0xa0: {  	[bflag:$0x0] =	sbarrier.arrive $0xFFFF  }
0xa1: {  	_ =	strace $0x90000047  }
0xa2: {  	s0 =	stileid.u32;
	[bflag:$0x2] =	sbarrier.arrive $0xFFFF  }
0xa3: {  	p0 =	sne.s32 s0, $0x0;
	s0 =	rddreg [dreg:$0x1]  }
0xa4: {  	s0 =	sadd.s32 @!p0 $0x100000, s0  }
0xa5: {  	[sflag:s0] =	ssyncadd.tile.s32 @!p0 $0x1;
	_ =	shalt  }
.Lfunc_end2:
_tile_overlayer_lowered:
.L_overlay_start_2:
0xa6: {  	(tag) =	ssettag $0x2  }
0xa7: {  	s0 =	rddreg [dreg:$0x0];
	s2 =	stileid.u32  }
0xa8: {  	s1 =	rddreg [dreg:$0x1];
	p0 =	sne.s32 s2, $0x0  }
0xa9: {  	s3 =	rddreg [dreg:$0x2];
	[bflag:$0x3] =	sbarrier.arrive $0xFFFF;
	s2 =	simm.s32 @!p0 $0x1C02  }
0xaa: {  	[timem:s3], [sflag:s2] =	dma.local @!p0 [hbm:s0], s1  }
0xab: {  	s0 =	simm.s32 @!p0 $0x2  }
0xac: {  	_ =	swait.ge @!p0 [sflag:s0], s1  }
0xad: {  	s1 =	ssub.s32 @!p0 $0x0, s1;
	[sflag:s0] =	ssyncset.done @!p0 $0x0  }
0xae: {  	[sflag:s0] =	ssyncadd.s32 @!p0 s1  }
0xaf: {  	[bflag:$0x3] =	sbarrier.arrive $0xFFFF  }
0xb0: {  	_ =	shalt  }

</sc_bundles>
